<compile_context>
chip_gen: v7x
topology: tpu7x:2x2x1
jax: 0.10.2.dev20260603
libtpu: 0.0.44.dev20260713+nightly
codegen_flags: <defaults>
</compile_context>

<pallas_src>
import functools

import jax
import jax.numpy as jnp
from jax import lax
from jax.experimental import pallas as pl
from jax.experimental.pallas import tpu as pltpu
from jax.experimental.pallas import tpu_sc as plsc

N = 10000
D = 128
E = 320000
NC = 2
NS = 16
NW = NC * NS
EPW = E // NW
CHUNK = 128
NCHUNK = EPW // CHUNK
TAIL = EPW - NCHUNK * CHUNK
RPT = 624
ZR = 48

BLK = 1000
NB = N // BLK


def _seg_sum_body(x_hbm, src_hbm, dstm_hbm, dstt_hbm, out_hbm,
                  idx_s, dstb0, dstb1, idx_dt, rows, acc,
                  sem_ip, sem_g0, sem_g1, sem_s0, sem_s1, sem_d0, sem_d1):
    c = lax.axis_index("c")
    s = lax.axis_index("s")
    wid = s * NC + c

    sem_g = (sem_g0, sem_g1)
    sem_s = (sem_s0, sem_s1)
    sem_d = (sem_d0, sem_d1)
    dstb = (dstb0, dstb1)

    def gather_start(j, b):
        pltpu.async_copy(x_hbm.at[idx_s.at[pl.ds(j * CHUNK, CHUNK)]],
                         rows.at[b], sem_g[b])

    def gather_wait(j, b):
        pltpu.make_async_copy(x_hbm.at[idx_s.at[pl.ds(j * CHUNK, CHUNK)]],
                              rows.at[b], sem_g[b]).wait()

    def scatter_start(j, b):
        pltpu.async_copy(rows.at[b], acc.at[dstb[b].at[0]], sem_s[b],
                         add=True)

    def scatter_wait(j, b):
        pltpu.make_async_copy(rows.at[b], acc.at[dstb[b].at[0]],
                              sem_s[b]).wait()

    def d_load(j, b):
        pltpu.async_copy(dstm_hbm.at[wid, j], dstb[b], sem_d[b])

    def d_wait(j, b):
        pltpu.make_async_copy(dstm_hbm.at[wid, j], dstb[b], sem_d[b]).wait()

    ip_s = pltpu.async_copy(
        src_hbm.at[pl.ds(pl.multiple_of(wid * EPW, 8), EPW)], idx_s, sem_ip)
    ip_t = pltpu.async_copy(dstt_hbm.at[wid], idx_dt, sem_ip)
    d_load(0, 0)

    def zb(i, _):
        r = i // 8
        col = (i % 8) * 16
        rows[0, r, pl.ds(col, 16)] = jnp.zeros((16,), jnp.float32)
        return 0
    lax.fori_loop(0, ZR * 8, zb, 0)

    row0 = s * RPT

    def zoff(i):
        return pl.ds(pl.multiple_of(row0 + i * ZR, 8), ZR)

    def zc(i, _):
        pltpu.async_copy(rows.at[0, pl.ds(0, ZR)], acc.at[zoff(i)], sem_ip)
        return 0
    lax.fori_loop(0, RPT // ZR, zc, 0)

    @pl.when(s == NS - 1)
    def _():
        pltpu.async_copy(rows.at[0, pl.ds(0, 16)],
                         acc.at[pl.ds(N - 16, 16)], sem_ip)

    def zd(i, _):
        pltpu.make_async_copy(rows.at[0, pl.ds(0, ZR)], acc.at[zoff(i)],
                              sem_ip).wait()
        return 0
    lax.fori_loop(0, RPT // ZR, zd, 0)

    @pl.when(s == NS - 1)
    def _():
        pltpu.make_async_copy(rows.at[0, pl.ds(0, 16)],
                              acc.at[pl.ds(N - 16, 16)], sem_ip).wait()
    ip_s.wait()
    ip_t.wait()
    plsc.subcore_barrier()
    gather_start(0, 0)

    def body(i, _):
        j0 = i * 2
        j1 = j0 + 1
        gather_wait(j0, 0)

        @pl.when(i > 0)
        def _():
            scatter_wait(j0 - 1, 1)
        gather_start(j1, 1)
        d_load(j1, 1)
        d_wait(j0, 0)
        scatter_start(j0, 0)
        gather_wait(j1, 1)
        scatter_wait(j0, 0)

        @pl.when(j0 + 2 < NCHUNK)
        def _():
            d_load(j0 + 2, 0)
            gather_start(j0 + 2, 0)
        d_wait(j1, 1)
        scatter_start(j1, 1)
        return 0
    lax.fori_loop(0, NCHUNK // 2, body, 0)
    t0 = pl.multiple_of(NCHUNK * CHUNK, 8)
    pltpu.async_copy(x_hbm.at[idx_s.at[pl.ds(t0, TAIL)]],
                     rows.at[0, pl.ds(0, TAIL)], sem_g0)
    pltpu.make_async_copy(x_hbm.at[idx_s.at[pl.ds(t0, TAIL)]],
                          rows.at[0, pl.ds(0, TAIL)], sem_g0).wait()
    pltpu.async_copy(rows.at[0, pl.ds(0, TAIL)], acc.at[idx_dt.at[0]],
                     sem_s0, add=True)
    pltpu.make_async_copy(rows.at[0, pl.ds(0, TAIL)], acc.at[idx_dt.at[0]],
                          sem_s0).wait()
    scatter_wait(NCHUNK - 1, 1)
    plsc.subcore_barrier()

    pltpu.sync_copy(acc.at[pl.ds(row0, RPT)], out_hbm.at[c, pl.ds(row0, RPT)])

    @pl.when(s == NS - 1)
    def _():
        pltpu.sync_copy(acc.at[pl.ds(N - 16, 16)],
                        out_hbm.at[c, pl.ds(N - 16, 16)])


@functools.lru_cache(maxsize=None)
def _seg_sum_call():
    return pl.kernel(
        _seg_sum_body,
        out_type=jax.ShapeDtypeStruct((NC, N, D), jnp.float32),
        mesh=plsc.VectorSubcoreMesh(core_axis_name="c", subcore_axis_name="s"),
        scratch_types=[
            pltpu.VMEM((EPW,), jnp.int32),
            pltpu.VMEM((1, CHUNK), jnp.int32),
            pltpu.VMEM((1, CHUNK), jnp.int32),
            pltpu.VMEM((1, TAIL), jnp.int32),
            pltpu.VMEM((2, CHUNK, D), jnp.float32),
            pltpu.VMEM_SHARED((N, D), jnp.float32),
            pltpu.SemaphoreType.DMA,
            pltpu.SemaphoreType.DMA,
            pltpu.SemaphoreType.DMA,
            pltpu.SemaphoreType.DMA,
            pltpu.SemaphoreType.DMA,
            pltpu.SemaphoreType.DMA,
            pltpu.SemaphoreType.DMA,
        ],
    )


def _fused_body(p_ref, x_ref, w_ref, wres_ref, g_ref, b_ref, out_ref,
                hbuf, stats):
    pp = pl.program_id(0)
    i = pl.program_id(1)

    @pl.when(pp == 0)
    def _():
        agg = p_ref[0] + p_ref[1]
        h = jnp.maximum(jnp.dot(agg, w_ref[...],
                                preferred_element_type=jnp.float32), 0.0)
        h = h + jnp.maximum(jnp.dot(x_ref[...], wres_ref[...],
                                    preferred_element_type=jnp.float32), 0.0)
        hbuf[pl.ds(i * BLK, BLK), :] = h

        @pl.when(i == 0)
        def _():
            stats[...] = jnp.zeros_like(stats)
        stats[0:1] += jnp.sum(h, axis=0, keepdims=True)
        stats[1:2] += jnp.sum(h * h, axis=0, keepdims=True)

    @pl.when(pp == 1)
    def _():
        h = hbuf[pl.ds(i * BLK, BLK), :]
        mean = stats[0:1] * (1.0 / N)
        var = stats[1:2] * (1.0 / N) - mean * mean
        inv = lax.rsqrt(var + 1e-5)
        out_ref[...] = (h - mean) * (inv * g_ref[...]) + b_ref[...]


@functools.lru_cache(maxsize=None)
def _fused_call():
    return pl.pallas_call(
        _fused_body,
        grid=(2, NB),
        in_specs=[
            pl.BlockSpec((NC, BLK, D),
                         lambda p, i: (0, jnp.where(p == 0, i, NB - 1), 0)),
            pl.BlockSpec((BLK, D),
                         lambda p, i: (jnp.where(p == 0, i, NB - 1), 0)),
            pl.BlockSpec((D, D), lambda p, i: (0, 0)),
            pl.BlockSpec((D, D), lambda p, i: (0, 0)),
            pl.BlockSpec((1, D), lambda p, i: (0, 0)),
            pl.BlockSpec((1, D), lambda p, i: (0, 0)),
        ],
        out_specs=pl.BlockSpec((BLK, D),
                               lambda p, i: (jnp.where(p == 0, 0, i), 0)),
        out_shape=jax.ShapeDtypeStruct((N, D), jnp.float32),
        scratch_shapes=[
            pltpu.VMEM((N, D), jnp.float32),
            pltpu.VMEM((2, D), jnp.float32),
        ],
    )


def _layer(x, src, dst_m, dst_t, w, wres, gamma, beta):
    p = _seg_sum_call()(x, src, dst_m, dst_t)
    return _fused_call()(p, x, w, wres,
                         gamma.reshape(1, D), beta.reshape(1, D))


def kernel(x, edge_index, W1, Wres1, gamma1, beta1, W2, Wres2, gamma2, beta2):
    src = edge_index[0]
    dst2 = edge_index[1].reshape(NW, EPW)
    dst_m = dst2[:, :NCHUNK * CHUNK].reshape(NW, NCHUNK, 1, CHUNK)
    dst_t = dst2[:, NCHUNK * CHUNK:].reshape(NW, 1, TAIL)
    h = _layer(x, src, dst_m, dst_t, W1, Wres1, gamma1, beta1)
    h = _layer(h, src, dst_m, dst_t, W2, Wres2, gamma2, beta2)
    return h

# --- scband reference (transcript-rebuilt; emitter-appended) ---
"""Pipeline reference for scband-gcn-88974542504685 (READ-ONLY COPY).

The authoritative reference and input builder live on the scoring server;
editing this copy changes nothing except your own understanding.
"""

import jax, jax.numpy as jnp
import numpy as np

N = 10000
E = 320000
D = 128
H1 = 128
H2 = 128


def setup_inputs(seed: int = 0) -> dict:
    key = jax.random.key(seed)
    ks = jax.random.split(key, 8)
    x = jax.random.normal(ks[0], (N, D), dtype=jnp.float32)
    edge_index = jax.random.randint(ks[1], (2, E), 0, N, dtype=jnp.int32)
    s1 = 1.0 / np.sqrt(D)
    s2 = 1.0 / np.sqrt(H1)
    W1 = jax.random.uniform(ks[2], (D, H1), minval=-s1, maxval=s1, dtype=jnp.float32)
    Wres1 = jax.random.uniform(ks[3], (D, H1), minval=-s1, maxval=s1, dtype=jnp.float32)
    W2 = jax.random.uniform(ks[4], (H1, H2), minval=-s2, maxval=s2, dtype=jnp.float32)
    Wres2 = jax.random.uniform(ks[5], (H1, H2), minval=-s2, maxval=s2, dtype=jnp.float32)
    gamma1 = jnp.ones((H1,), dtype=jnp.float32)
    beta1 = jnp.zeros((H1,), dtype=jnp.float32)
    gamma2 = jnp.ones((H2,), dtype=jnp.float32)
    beta2 = jnp.zeros((H2,), dtype=jnp.float32)
    return {"x": x, "edge_index": edge_index, "W1": W1, "Wres1": Wres1,
            "gamma1": gamma1, "beta1": beta1, "W2": W2, "Wres2": Wres2,
            "gamma2": gamma2, "beta2": beta2}


def _gcn_layer(x, src, dst, W, Wres, gamma, beta):
    # DGL GraphConv with norm='none', bias=False: sum-aggregate neighbor feats, then linear, then activation (relu)
    agg = jax.ops.segment_sum(x[src], dst, num_segments=N)
    h = jax.nn.relu(agg @ W)
    # residual branch: activation(res_connection(x))
    res = jax.nn.relu(x @ Wres)
    h = h + res
    # dropout p=0.0 -> identity
    # BatchNorm1d (training-mode batch statistics, biased var, eps=1e-5)
    mean = jnp.mean(h, axis=0)
    var = jnp.var(h, axis=0)
    h = (h - mean) / jnp.sqrt(var + 1e-5) * gamma + beta
    return h


def reference(x, edge_index, W1, Wres1, gamma1, beta1, W2, Wres2, gamma2, beta2):
    src = edge_index[0]
    dst = edge_index[1]
    h = _gcn_layer(x, src, dst, W1, Wres1, gamma1, beta1)
    h = _gcn_layer(h, src, dst, W2, Wres2, gamma2, beta2)
    return h

if __name__ == "__main__":
    import jax
    _d = setup_inputs()
    print(jax.jit(kernel)(*tuple(_d.values())))

</pallas_src>

<mosaic_0001>
#map = affine_map<(d0, d1) -> (0, 0)>
#map1 = affine_map<(d0, d1) -> (0)>
#map2 = affine_map<(d0, d1) -> (0, 0, 0, 0)>
#map3 = affine_map<(d0, d1) -> (0, 0, 0)>
module attributes {stable_mosaic.version = 14 : i64} {
  func.func @_seg_sum_body(%arg0: i32, %arg1: i32, %arg2: memref<10000x128xf32, #tpu.memory_space<hbm>>, %arg3: memref<320000xi32, #tpu.memory_space<hbm>>, %arg4: memref<32x78x1x128xi32, #tpu.memory_space<hbm>>, %arg5: memref<32x1x16xi32, #tpu.memory_space<hbm>>, %arg6: memref<2x10000x128xf32, #tpu.memory_space<hbm>>, %arg7: memref<10000xi32, #tpu.memory_space<vmem>>, %arg8: memref<1x128xi32, #tpu.memory_space<vmem>>, %arg9: memref<1x128xi32, #tpu.memory_space<vmem>>, %arg10: memref<1x16xi32, #tpu.memory_space<vmem>>, %arg11: memref<2x128x128xf32, #tpu.memory_space<vmem>>, %arg12: memref<10000x128xf32, #tpu.memory_space<vmem_shared>>, %arg13: memref<!tpu.dma_semaphore, #tpu.memory_space<semaphore_mem>>, %arg14: memref<!tpu.dma_semaphore, #tpu.memory_space<semaphore_mem>>, %arg15: memref<!tpu.dma_semaphore, #tpu.memory_space<semaphore_mem>>, %arg16: memref<!tpu.dma_semaphore, #tpu.memory_space<semaphore_mem>>, %arg17: memref<!tpu.dma_semaphore, #tpu.memory_space<semaphore_mem>>, %arg18: memref<!tpu.dma_semaphore, #tpu.memory_space<semaphore_mem>>, %arg19: memref<!tpu.dma_semaphore, #tpu.memory_space<semaphore_mem>>) attributes {dimension_semantics = [#tpu.dimension_semantics<core_parallel>, #tpu.dimension_semantics<subcore_parallel>], iteration_bounds = array<i64: 2, 16>, scalar_prefetch = 0 : i64, scratch_operands = 13 : i64, tpu.core_type = #tpu.core_type<sc_vector_subcore>, window_params = [{transform_indices = #map}, {transform_indices = #map1}, {transform_indices = #map2}, {transform_indices = #map3}, {transform_indices = #map3}]} {
    %mul3A = arith.constant 2 : i32
    %mul3A_0 = arith.muli %arg1, %mul3A : i32
    %add3A = arith.addi %mul3A_0, %arg0 : i32
    %mul3A_1 = arith.constant 10000 : i32
    %mul3A_2 = arith.muli %add3A, %mul3A_1 : i32
    %multiple_of3A = tpu.assume_multiple %mul3A_2, 8 : i32
    %dma_start3A = tpu.memref_slice %arg3[%multiple_of3A] : memref<320000xi32, #tpu.memory_space<hbm>> -> memref<10000xi32, #tpu.memory_space<hbm>>
    %dma_start3A_3 = tpu.memref_slice %arg3[%multiple_of3A] : memref<320000xi32, #tpu.memory_space<hbm>> -> memref<10000xi32, #tpu.memory_space<hbm>>
    tpu.enqueue_dma source(%dma_start3A_3 : memref<10000xi32, #tpu.memory_space<hbm>>) target(%arg7 : memref<10000xi32, #tpu.memory_space<vmem>>) target_semaphore(%arg13 : memref<!tpu.dma_semaphore, #tpu.memory_space<semaphore_mem>>)
    %dma_start3A_4 = arith.constant 0 : i32
    %dma_start3A_5 = arith.constant 0 : i32
    %dma_start3A_6 = tpu.memref_slice %arg5[%add3A, %dma_start3A_4, %dma_start3A_5] : memref<32x1x16xi32, #tpu.memory_space<hbm>> -> memref<1x1x16xi32, #tpu.memory_space<hbm>>
    %dma_start3A_7 = tpu.memref_squeeze %dma_start3A_6 : memref<1x1x16xi32, #tpu.memory_space<hbm>> -> memref<1x16xi32, #tpu.memory_space<hbm>>
    %dma_start3A_8 = arith.constant 0 : i32
    %dma_start3A_9 = arith.constant 0 : i32
    %dma_start3A_10 = tpu.memref_slice %arg5[%add3A, %dma_start3A_8, %dma_start3A_9] : memref<32x1x16xi32, #tpu.memory_space<hbm>> -> memref<1x1x16xi32, #tpu.memory_space<hbm>>
    %dma_start3A_11 = tpu.memref_squeeze %dma_start3A_10 : memref<1x1x16xi32, #tpu.memory_space<hbm>> -> memref<1x16xi32, #tpu.memory_space<hbm>>
    tpu.enqueue_dma source(%dma_start3A_11 : memref<1x16xi32, #tpu.memory_space<hbm>>) target(%arg10 : memref<1x16xi32, #tpu.memory_space<vmem>>) target_semaphore(%arg13 : memref<!tpu.dma_semaphore, #tpu.memory_space<semaphore_mem>>)
    %dma_start3A_12 = arith.constant 0 : i32
    %dma_start3A_13 = arith.constant 0 : i32
    %dma_start3A_14 = arith.constant 0 : i32
    %dma_start3A_15 = tpu.memref_slice %arg4[%add3A, %dma_start3A_12, %dma_start3A_13, %dma_start3A_14] : memref<32x78x1x128xi32, #tpu.memory_space<hbm>> -> memref<1x1x1x128xi32, #tpu.memory_space<hbm>>
    %dma_start3A_16 = tpu.memref_squeeze %dma_start3A_15 : memref<1x1x1x128xi32, #tpu.memory_space<hbm>> -> memref<1x128xi32, #tpu.memory_space<hbm>>
    %dma_start3A_17 = arith.constant 0 : i32
    %dma_start3A_18 = arith.constant 0 : i32
    %dma_start3A_19 = tpu.memref_slice %arg4[%add3A, %dma_start3A_12, %dma_start3A_17, %dma_start3A_18] : memref<32x78x1x128xi32, #tpu.memory_space<hbm>> -> memref<1x1x1x128xi32, #tpu.memory_space<hbm>>
    %dma_start3A_20 = tpu.memref_squeeze %dma_start3A_19 : memref<1x1x1x128xi32, #tpu.memory_space<hbm>> -> memref<1x128xi32, #tpu.memory_space<hbm>>
    tpu.enqueue_dma source(%dma_start3A_20 : memref<1x128xi32, #tpu.memory_space<hbm>>) target(%arg8 : memref<1x128xi32, #tpu.memory_space<vmem>>) target_semaphore(%arg18 : memref<!tpu.dma_semaphore, #tpu.memory_space<semaphore_mem>>)
    %scan3A = arith.constant 0 : i32
    %scan3A_21 = arith.constant 0 : i32
    %scan3A_22 = arith.constant 384 : i32
    %scan3A_23 = arith.addi %scan3A_21, %scan3A_22 : i32
    %scan3A_24 = arith.constant 1 : i32
    %scan3A_25 = scf.for %scan3A_138 = %scan3A_21 to %scan3A_23 step %scan3A_24 iter_args(%scan3A_139 = %scan3A) -> (i32)  : i32 {
      %jit3A = arith.constant 8 : i32
      %div3A = arith.divsi %scan3A_138, %jit3A : i32
      %sign3A = arith.constant 0 : i32
      %sign3A_140 = arith.cmpi sgt, %scan3A_138, %sign3A : i32
      %sign3A_141 = arith.extui %sign3A_140 : i1 to i32
      %sign3A_142 = arith.constant 0 : i32
      %sign3A_143 = arith.cmpi slt, %scan3A_138, %sign3A_142 : i32
      %sign3A_144 = arith.extui %sign3A_143 : i1 to i32
      %sign3A_145 = arith.subi %sign3A_141, %sign3A_144 : i32
      %sign3A_146 = arith.constant 0 : i32
      %sign3A_147 = arith.cmpi sgt, %jit3A, %sign3A_146 : i32
      %sign3A_148 = arith.extui %sign3A_147 : i1 to i32
      %sign3A_149 = arith.constant 0 : i32
      %sign3A_150 = arith.cmpi slt, %jit3A, %sign3A_149 : i32
      %sign3A_151 = arith.extui %sign3A_150 : i1 to i32
      %sign3A_152 = arith.subi %sign3A_148, %sign3A_151 : i32
      %ne3A = arith.cmpi ne, %sign3A_145, %sign3A_152 : i32
      %rem3A = arith.remsi %scan3A_138, %jit3A : i32
      %ne3A_153 = arith.constant 0 : i32
      %ne3A_154 = arith.cmpi ne, %rem3A, %ne3A_153 : i32
      %and3A = arith.andi %ne3A, %ne3A_154 : i1
      %sub3A = arith.constant 1 : i32
      %sub3A_155 = arith.subi %div3A, %sub3A : i32
      %select_n3A = arith.select %and3A, %sub3A_155, %div3A : i32
      %jit3A_156 = arith.constant 8 : i32
      %eq3A_157 = arith.constant 0 : i32
      %eq3A_158 = arith.cmpi eq, %jit3A_156, %eq3A_157 : i32
      %jit3A_159 = arith.constant 1 : i32
      %select_n3A_160 = arith.select %eq3A_158, %jit3A_159, %jit3A_156 : i32
      %rem3A_161 = arith.remsi %scan3A_138, %select_n3A_160 : i32
      %ne3A_162 = arith.constant 0 : i32
      %ne3A_163 = arith.cmpi ne, %rem3A_161, %ne3A_162 : i32
      %lt3A = arith.constant 0 : i32
      %lt3A_164 = arith.cmpi slt, %rem3A_161, %lt3A : i32
      %lt3A_165 = arith.constant 0 : i32
      %lt3A_166 = arith.cmpi slt, %select_n3A_160, %lt3A_165 : i32
      %ne3A_167 = arith.xori %lt3A_164, %lt3A_166 : i1
      %and3A_168 = arith.andi %ne3A_167, %ne3A_163 : i1
      %add3A_169 = arith.addi %rem3A_161, %select_n3A_160 : i32
      %select_n3A_170 = arith.select %and3A_168, %add3A_169, %rem3A_161 : i32
      %mul3A_171 = arith.constant 16 : i32
      %mul3A_172 = arith.muli %select_n3A_170, %mul3A_171 : i32
      %broadcast_in_dim3A = arith.constant 0.000000e+00 : f32
      %broadcast_in_dim3A_173 = vector.broadcast %broadcast_in_dim3A : f32 to vector<16xf32>
      %swap3A = arith.constant 0 : i32
      %swap3A_174 = arith.index_cast %swap3A : i32 to index
      %swap3A_175 = arith.index_cast %select_n3A : i32 to index
      %swap3A_176 = arith.index_cast %mul3A_172 : i32 to index
      %swap3A_177 = tpu.vector_load %arg11[%swap3A_174, %swap3A_175, %swap3A_176] {strides = array<i32>} : memref<2x128x128xf32, #tpu.memory_space<vmem>>, vector<1x1x16xf32>,
      %swap3A_178 = vector.shape_cast %swap3A_177 : vector<1x1x16xf32> to vector<16xf32>
      %swap3A_179 = vector.shape_cast %broadcast_in_dim3A_173 : vector<16xf32> to vector<1x1x16xf32>
      tpu.vector_store %arg11[%swap3A_174, %swap3A_175, %swap3A_176], %swap3A_179 {strides = array<i32>} : memref<2x128x128xf32, #tpu.memory_space<vmem>>, vector<1x1x16xf32>,
      %scan3A_180 = arith.constant 0 : i32
      scf.yield %scan3A_180 : i32
    }
    %scan3A_26 = arith.constant 384 : i32
    %mul3A_27 = arith.constant 624 : i32
    %mul3A_28 = arith.muli %arg1, %mul3A_27 : i32
    %scan3A_29 = arith.constant 0 : i32
    %scan3A_30 = arith.constant 0 : i32
    %scan3A_31 = arith.constant 13 : i32
    %scan3A_32 = arith.addi %scan3A_30, %scan3A_31 : i32
    %scan3A_33 = arith.constant 1 : i32
    %scan3A_34 = scf.for %scan3A_138 = %scan3A_30 to %scan3A_32 step %scan3A_33 iter_args(%scan3A_139 = %scan3A_29) -> (i32)  : i32 {
      %mul3A_140 = arith.constant 48 : i32
      %mul3A_141 = arith.muli %scan3A_138, %mul3A_140 : i32
      %add3A_142 = arith.addi %mul3A_28, %mul3A_141 : i32
      %multiple_of3A_143 = tpu.assume_multiple %add3A_142, 8 : i32
      %dma_start3A_144 = arith.constant 0 : i32
      %dma_start3A_145 = arith.constant 0 : i32
      %dma_start3A_146 = arith.constant 0 : i32
      %dma_start3A_147 = tpu.memref_slice %arg11[%dma_start3A_144, %dma_start3A_145, %dma_start3A_146] : memref<2x128x128xf32, #tpu.memory_space<vmem>> -> memref<1x48x128xf32, #tpu.memory_space<vmem>>
      %dma_start3A_148 = tpu.memref_squeeze %dma_start3A_147 : memref<1x48x128xf32, #tpu.memory_space<vmem>> -> memref<48x128xf32, #tpu.memory_space<vmem>>
      %dma_start3A_149 = arith.constant 0 : i32
      %dma_start3A_150 = tpu.memref_slice %arg12[%multiple_of3A_143, %dma_start3A_149] : memref<10000x128xf32, #tpu.memory_space<vmem_shared>> -> memref<48x128xf32, #tpu.memory_space<vmem_shared>>
      %dma_start3A_151 = arith.constant 0 : i32
      %dma_start3A_152 = tpu.memref_slice %arg12[%multiple_of3A_143, %dma_start3A_151] : memref<10000x128xf32, #tpu.memory_space<vmem_shared>> -> memref<48x128xf32, #tpu.memory_space<vmem_shared>>
      %dma_start3A_153 = arith.constant 0 : i32
      %dma_start3A_154 = arith.constant 0 : i32
      %dma_start3A_155 = tpu.memref_slice %arg11[%dma_start3A_144, %dma_start3A_153, %dma_start3A_154] : memref<2x128x128xf32, #tpu.memory_space<vmem>> -> memref<1x48x128xf32, #tpu.memory_space<vmem>>
      %dma_start3A_156 = tpu.memref_squeeze %dma_start3A_155 : memref<1x48x128xf32, #tpu.memory_space<vmem>> -> memref<48x128xf32, #tpu.memory_space<vmem>>
      tpu.enqueue_dma source(%dma_start3A_156 : memref<48x128xf32, #tpu.memory_space<vmem>>) target(%dma_start3A_152 : memref<48x128xf32, #tpu.memory_space<vmem_shared>>) target_semaphore(%arg13 : memref<!tpu.dma_semaphore, #tpu.memory_space<semaphore_mem>>)
      %scan3A_157 = arith.constant 0 : i32
      scf.yield %scan3A_157 : i32
    }
    %scan3A_35 = arith.constant 13 : i32
    %eq3A = arith.constant 15 : i32
    %eq3A_36 = arith.cmpi eq, %arg1, %eq3A : i32
    %convert_element_type3A = arith.extui %eq3A_36 : i1 to i32
    %cond3A = arith.constant 0 : i32
    %cond3A_37 = arith.cmpi ne, %convert_element_type3A, %cond3A : i32
    scf.if %cond3A_37 {
      %dma_start3A_138 = arith.constant 0 : i32
      %dma_start3A_139 = arith.constant 0 : i32
      %dma_start3A_140 = arith.constant 0 : i32
      %dma_start3A_141 = tpu.memref_slice %arg11[%dma_start3A_138, %dma_start3A_139, %dma_start3A_140] : memref<2x128x128xf32, #tpu.memory_space<vmem>> -> memref<1x16x128xf32, #tpu.memory_space<vmem>>
      %dma_start3A_142 = tpu.memref_squeeze %dma_start3A_141 : memref<1x16x128xf32, #tpu.memory_space<vmem>> -> memref<16x128xf32, #tpu.memory_space<vmem>>
      %dma_start3A_143 = arith.constant 9984 : i32
      %dma_start3A_144 = arith.constant 0 : i32
      %dma_start3A_145 = tpu.memref_slice %arg12[%dma_start3A_143, %dma_start3A_144] : memref<10000x128xf32, #tpu.memory_space<vmem_shared>> -> memref<16x128xf32, #tpu.memory_space<vmem_shared>>
      %dma_start3A_146 = arith.constant 9984 : i32
      %dma_start3A_147 = arith.constant 0 : i32
      %dma_start3A_148 = tpu.memref_slice %arg12[%dma_start3A_146, %dma_start3A_147] : memref<10000x128xf32, #tpu.memory_space<vmem_shared>> -> memref<16x128xf32, #tpu.memory_space<vmem_shared>>
      %dma_start3A_149 = arith.constant 0 : i32
      %dma_start3A_150 = arith.constant 0 : i32
      %dma_start3A_151 = tpu.memref_slice %arg11[%dma_start3A_138, %dma_start3A_149, %dma_start3A_150] : memref<2x128x128xf32, #tpu.memory_space<vmem>> -> memref<1x16x128xf32, #tpu.memory_space<vmem>>
      %dma_start3A_152 = tpu.memref_squeeze %dma_start3A_151 : memref<1x16x128xf32, #tpu.memory_space<vmem>> -> memref<16x128xf32, #tpu.memory_space<vmem>>
      tpu.enqueue_dma source(%dma_start3A_152 : memref<16x128xf32, #tpu.memory_space<vmem>>) target(%dma_start3A_148 : memref<16x128xf32, #tpu.memory_space<vmem_shared>>) target_semaphore(%arg13 : memref<!tpu.dma_semaphore, #tpu.memory_space<semaphore_mem>>)
    } else {
    }
    %scan3A_38 = arith.constant 0 : i32
    %scan3A_39 = arith.constant 0 : i32
    %scan3A_40 = arith.constant 13 : i32
    %scan3A_41 = arith.addi %scan3A_39, %scan3A_40 : i32
    %scan3A_42 = arith.constant 1 : i32
    %scan3A_43 = scf.for %scan3A_138 = %scan3A_39 to %scan3A_41 step %scan3A_42 iter_args(%scan3A_139 = %scan3A_38) -> (i32)  : i32 {
      %mul3A_140 = arith.constant 48 : i32
      %mul3A_141 = arith.muli %scan3A_138, %mul3A_140 : i32
      %add3A_142 = arith.addi %mul3A_28, %mul3A_141 : i32
      %multiple_of3A_143 = tpu.assume_multiple %add3A_142, 8 : i32
      %dma_wait3A_144 = arith.constant 0 : i32
      %dma_wait3A_145 = arith.constant 0 : i32
      %dma_wait3A_146 = arith.constant 0 : i32
      %dma_wait3A_147 = tpu.memref_slice %arg11[%dma_wait3A_144, %dma_wait3A_145, %dma_wait3A_146] : memref<2x128x128xf32, #tpu.memory_space<vmem>> -> memref<1x48x128xf32, #tpu.memory_space<vmem>>
      %dma_wait3A_148 = tpu.memref_squeeze %dma_wait3A_147 : memref<1x48x128xf32, #tpu.memory_space<vmem>> -> memref<48x128xf32, #tpu.memory_space<vmem>>
      %dma_wait3A_149 = arith.constant 0 : i32
      %dma_wait3A_150 = tpu.memref_slice %arg12[%multiple_of3A_143, %dma_wait3A_149] : memref<10000x128xf32, #tpu.memory_space<vmem_shared>> -> memref<48x128xf32, #tpu.memory_space<vmem_shared>>
      %dma_wait3A_151 = arith.constant 0 : i32
      %dma_wait3A_152 = tpu.memref_slice %arg12[%multiple_of3A_143, %dma_wait3A_151] : memref<10000x128xf32, #tpu.memory_space<vmem_shared>> -> memref<48x128xf32, #tpu.memory_space<vmem_shared>>
      %dma_wait3A_153 = arith.constant 0 : i32
      %dma_wait3A_154 = arith.constant 0 : i32
      %dma_wait3A_155 = tpu.memref_slice %arg11[%dma_wait3A_144, %dma_wait3A_153, %dma_wait3A_154] : memref<2x128x128xf32, #tpu.memory_space<vmem>> -> memref<1x48x128xf32, #tpu.memory_space<vmem>>
      %dma_wait3A_156 = tpu.memref_squeeze %dma_wait3A_155 : memref<1x48x128xf32, #tpu.memory_space<vmem>> -> memref<48x128xf32, #tpu.memory_space<vmem>>
      tpu.wait_dma2 semaphore(%arg13 : memref<!tpu.dma_semaphore, #tpu.memory_space<semaphore_mem>>) src(%dma_wait3A_156 : memref<48x128xf32, #tpu.memory_space<vmem>>) dst(%dma_wait3A_152 : memref<48x128xf32, #tpu.memory_space<vmem_shared>>)
      %scan3A_157 = arith.constant 0 : i32
      scf.yield %scan3A_157 : i32
    }
    %scan3A_44 = arith.constant 13 : i32
    %eq3A_45 = arith.constant 15 : i32
    %eq3A_46 = arith.cmpi eq, %arg1, %eq3A_45 : i32
    %convert_element_type3A_47 = arith.extui %eq3A_46 : i1 to i32
    %cond3A_48 = arith.constant 0 : i32
    %cond3A_49 = arith.cmpi ne, %convert_element_type3A_47, %cond3A_48 : i32
    scf.if %cond3A_49 {
      %dma_wait3A_138 = arith.constant 0 : i32
      %dma_wait3A_139 = arith.constant 0 : i32
      %dma_wait3A_140 = arith.constant 0 : i32
      %dma_wait3A_141 = tpu.memref_slice %arg11[%dma_wait3A_138, %dma_wait3A_139, %dma_wait3A_140] : memref<2x128x128xf32, #tpu.memory_space<vmem>> -> memref<1x16x128xf32, #tpu.memory_space<vmem>>
      %dma_wait3A_142 = tpu.memref_squeeze %dma_wait3A_141 : memref<1x16x128xf32, #tpu.memory_space<vmem>> -> memref<16x128xf32, #tpu.memory_space<vmem>>
      %dma_wait3A_143 = arith.constant 9984 : i32
      %dma_wait3A_144 = arith.constant 0 : i32
      %dma_wait3A_145 = tpu.memref_slice %arg12[%dma_wait3A_143, %dma_wait3A_144] : memref<10000x128xf32, #tpu.memory_space<vmem_shared>> -> memref<16x128xf32, #tpu.memory_space<vmem_shared>>
      %dma_wait3A_146 = arith.constant 9984 : i32
      %dma_wait3A_147 = arith.constant 0 : i32
      %dma_wait3A_148 = tpu.memref_slice %arg12[%dma_wait3A_146, %dma_wait3A_147] : memref<10000x128xf32, #tpu.memory_space<vmem_shared>> -> memref<16x128xf32, #tpu.memory_space<vmem_shared>>
      %dma_wait3A_149 = arith.constant 0 : i32
      %dma_wait3A_150 = arith.constant 0 : i32
      %dma_wait3A_151 = tpu.memref_slice %arg11[%dma_wait3A_138, %dma_wait3A_149, %dma_wait3A_150] : memref<2x128x128xf32, #tpu.memory_space<vmem>> -> memref<1x16x128xf32, #tpu.memory_space<vmem>>
      %dma_wait3A_152 = tpu.memref_squeeze %dma_wait3A_151 : memref<1x16x128xf32, #tpu.memory_space<vmem>> -> memref<16x128xf32, #tpu.memory_space<vmem>>
      tpu.wait_dma2 semaphore(%arg13 : memref<!tpu.dma_semaphore, #tpu.memory_space<semaphore_mem>>) src(%dma_wait3A_152 : memref<16x128xf32, #tpu.memory_space<vmem>>) dst(%dma_wait3A_148 : memref<16x128xf32, #tpu.memory_space<vmem_shared>>)
    } else {
    }
    %dma_wait3A = tpu.memref_slice %arg3[%multiple_of3A] : memref<320000xi32, #tpu.memory_space<hbm>> -> memref<10000xi32, #tpu.memory_space<hbm>>
    %dma_wait3A_50 = tpu.memref_slice %arg3[%multiple_of3A] : memref<320000xi32, #tpu.memory_space<hbm>> -> memref<10000xi32, #tpu.memory_space<hbm>>
    tpu.wait_dma2 semaphore(%arg13 : memref<!tpu.dma_semaphore, #tpu.memory_space<semaphore_mem>>) src(%dma_wait3A_50 : memref<10000xi32, #tpu.memory_space<hbm>>) dst(%arg7 : memref<10000xi32, #tpu.memory_space<vmem>>)
    %dma_wait3A_51 = arith.constant 0 : i32
    %dma_wait3A_52 = arith.constant 0 : i32
    %dma_wait3A_53 = tpu.memref_slice %arg5[%add3A, %dma_wait3A_51, %dma_wait3A_52] : memref<32x1x16xi32, #tpu.memory_space<hbm>> -> memref<1x1x16xi32, #tpu.memory_space<hbm>>
    %dma_wait3A_54 = tpu.memref_squeeze %dma_wait3A_53 : memref<1x1x16xi32, #tpu.memory_space<hbm>> -> memref<1x16xi32, #tpu.memory_space<hbm>>
    %dma_wait3A_55 = arith.constant 0 : i32
    %dma_wait3A_56 = arith.constant 0 : i32
    %dma_wait3A_57 = tpu.memref_slice %arg5[%add3A, %dma_wait3A_55, %dma_wait3A_56] : memref<32x1x16xi32, #tpu.memory_space<hbm>> -> memref<1x1x16xi32, #tpu.memory_space<hbm>>
    %dma_wait3A_58 = tpu.memref_squeeze %dma_wait3A_57 : memref<1x1x16xi32, #tpu.memory_space<hbm>> -> memref<1x16xi32, #tpu.memory_space<hbm>>
    tpu.wait_dma2 semaphore(%arg13 : memref<!tpu.dma_semaphore, #tpu.memory_space<semaphore_mem>>) src(%dma_wait3A_58 : memref<1x16xi32, #tpu.memory_space<hbm>>) dst(%arg10 : memref<1x16xi32, #tpu.memory_space<vmem>>)
    %barrier3A = arith.constant 0 : index
    tpu.barrier barrier_id(%barrier3A)
    %dma_start3A_59 = arith.constant 0 : i32
    %dma_start3A_60 = arith.constant 0 : i32
    %dma_start3A_61 = arith.constant 0 : i32
    %dma_start3A_62 = tpu.memref_slice %arg11[%dma_start3A_59, %dma_start3A_60, %dma_start3A_61] : memref<2x128x128xf32, #tpu.memory_space<vmem>> -> memref<1x128x128xf32, #tpu.memory_space<vmem>>
    %dma_start3A_63 = tpu.memref_squeeze %dma_start3A_62 : memref<1x128x128xf32, #tpu.memory_space<vmem>> -> memref<128x128xf32, #tpu.memory_space<vmem>>
    %dma_start3A_64 = arith.constant 0 : i32
    %dma_start3A_65 = tpu.memref_slice %arg7[%dma_start3A_64] : memref<10000xi32, #tpu.memory_space<vmem>> -> memref<128xi32, #tpu.memory_space<vmem>>
    %dma_start3A_66 = arith.constant 0 : i32
    %dma_start3A_67 = arith.constant 0 : i32
    %dma_start3A_68 = tpu.memref_slice %arg2[%dma_start3A_66, %dma_start3A_67] : memref<10000x128xf32, #tpu.memory_space<hbm>> -> memref<10000x128xf32, #tpu.memory_space<hbm>>
    tpu.enqueue_indirect_dma source(%dma_start3A_68 : memref<10000x128xf32, #tpu.memory_space<hbm>>) target(%dma_start3A_63 : memref<128x128xf32, #tpu.memory_space<vmem>>) offsets(%dma_start3A_65 : memref<128xi32, #tpu.memory_space<vmem>>) semaphore(%arg14 : memref<!tpu.dma_semaphore, #tpu.memory_space<semaphore_mem>>)
    %scan3A_69 = arith.constant 0 : i32
    %scan3A_70 = arith.constant 0 : i32
    %scan3A_71 = arith.constant 39 : i32
    %scan3A_72 = arith.addi %scan3A_70, %scan3A_71 : i32
    %scan3A_73 = arith.constant 1 : i32
    %scan3A_74 = scf.for %scan3A_138 = %scan3A_70 to %scan3A_72 step %scan3A_73 iter_args(%scan3A_139 = %scan3A_69) -> (i32)  : i32 {
      %mul3A_140 = arith.constant 2 : i32
      %mul3A_141 = arith.muli %scan3A_138, %mul3A_140 : i32
      %add3A_142 = arith.constant 1 : i32
      %add3A_143 = arith.addi %mul3A_141, %add3A_142 : i32
      %mul3A_144 = arith.constant 128 : i32
      %mul3A_145 = arith.muli %mul3A_141, %mul3A_144 : i32
      %dma_wait3A_146 = arith.constant 0 : i32
      %dma_wait3A_147 = arith.constant 0 : i32
      %dma_wait3A_148 = arith.constant 0 : i32
      %dma_wait3A_149 = tpu.memref_slice %arg11[%dma_wait3A_146, %dma_wait3A_147, %dma_wait3A_148] : memref<2x128x128xf32, #tpu.memory_space<vmem>> -> memref<1x128x128xf32, #tpu.memory_space<vmem>>
      %dma_wait3A_150 = tpu.memref_squeeze %dma_wait3A_149 : memref<1x128x128xf32, #tpu.memory_space<vmem>> -> memref<128x128xf32, #tpu.memory_space<vmem>>
      %dma_wait3A_151 = tpu.memref_slice %arg7[%mul3A_145] : memref<10000xi32, #tpu.memory_space<vmem>> -> memref<128xi32, #tpu.memory_space<vmem>>
      %dma_wait3A_152 = arith.constant 0 : i32
      %dma_wait3A_153 = arith.constant 0 : i32
      %dma_wait3A_154 = tpu.memref_slice %arg2[%dma_wait3A_152, %dma_wait3A_153] : memref<10000x128xf32, #tpu.memory_space<hbm>> -> memref<10000x128xf32, #tpu.memory_space<hbm>>
      tpu.wait_indirect_dma semaphore(%arg14 : memref<!tpu.dma_semaphore, #tpu.memory_space<semaphore_mem>>) src(%dma_wait3A_154 : memref<10000x128xf32, #tpu.memory_space<hbm>>) dst(%dma_wait3A_150 : memref<128x128xf32, #tpu.memory_space<vmem>>)
      %gt3A = arith.constant 0 : i32
      %gt3A_155 = arith.cmpi sgt, %scan3A_138, %gt3A : i32
      %convert_element_type3A_156 = arith.extui %gt3A_155 : i1 to i32
      %cond3A_157 = arith.constant 0 : i32
      %cond3A_158 = arith.cmpi ne, %convert_element_type3A_156, %cond3A_157 : i32
      scf.if %cond3A_158 {
        %sub3A = arith.constant 1 : i32
        %sub3A_248 = arith.subi %mul3A_141, %sub3A : i32
        %dma_wait3A_249 = arith.constant 1 : i32
        %dma_wait3A_250 = arith.constant 0 : i32
        %dma_wait3A_251 = arith.constant 0 : i32
        %dma_wait3A_252 = arith.constant 0 : i32
        %dma_wait3A_253 = tpu.memref_slice %arg11[%dma_wait3A_249, %dma_wait3A_251, %dma_wait3A_252] : memref<2x128x128xf32, #tpu.memory_space<vmem>> -> memref<1x128x128xf32, #tpu.memory_space<vmem>>
        %dma_wait3A_254 = tpu.memref_squeeze %dma_wait3A_253 : memref<1x128x128xf32, #tpu.memory_space<vmem>> -> memref<128x128xf32, #tpu.memory_space<vmem>>
        %dma_wait3A_255 = arith.constant 0 : i32
        %dma_wait3A_256 = tpu.memref_slice %arg9[%dma_wait3A_250, %dma_wait3A_255] : memref<1x128xi32, #tpu.memory_space<vmem>> -> memref<1x128xi32, #tpu.memory_space<vmem>>
        %dma_wait3A_257 = tpu.memref_squeeze %dma_wait3A_256 : memref<1x128xi32, #tpu.memory_space<vmem>> -> memref<128xi32, #tpu.memory_space<vmem>>
        %dma_wait3A_258 = arith.constant 0 : i32
        %dma_wait3A_259 = arith.constant 0 : i32
        %dma_wait3A_260 = tpu.memref_slice %arg12[%dma_wait3A_258, %dma_wait3A_259] : memref<10000x128xf32, #tpu.memory_space<vmem_shared>> -> memref<10000x128xf32, #tpu.memory_space<vmem_shared>>
        tpu.wait_indirect_dma semaphore(%arg17 : memref<!tpu.dma_semaphore, #tpu.memory_space<semaphore_mem>>) src(%dma_wait3A_254 : memref<128x128xf32, #tpu.memory_space<vmem>>) dst(%dma_wait3A_260 : memref<10000x128xf32, #tpu.memory_space<vmem_shared>>)
      } else {
      }
      %mul3A_159 = arith.constant 128 : i32
      %mul3A_160 = arith.muli %add3A_143, %mul3A_159 : i32
      %dma_start3A_161 = arith.constant 1 : i32
      %dma_start3A_162 = arith.constant 0 : i32
      %dma_start3A_163 = arith.constant 0 : i32
      %dma_start3A_164 = tpu.memref_slice %arg11[%dma_start3A_161, %dma_start3A_162, %dma_start3A_163] : memref<2x128x128xf32, #tpu.memory_space<vmem>> -> memref<1x128x128xf32, #tpu.memory_space<vmem>>
      %dma_start3A_165 = tpu.memref_squeeze %dma_start3A_164 : memref<1x128x128xf32, #tpu.memory_space<vmem>> -> memref<128x128xf32, #tpu.memory_space<vmem>>
      %dma_start3A_166 = tpu.memref_slice %arg7[%mul3A_160] : memref<10000xi32, #tpu.memory_space<vmem>> -> memref<128xi32, #tpu.memory_space<vmem>>
      %dma_start3A_167 = arith.constant 0 : i32
      %dma_start3A_168 = arith.constant 0 : i32
      %dma_start3A_169 = tpu.memref_slice %arg2[%dma_start3A_167, %dma_start3A_168] : memref<10000x128xf32, #tpu.memory_space<hbm>> -> memref<10000x128xf32, #tpu.memory_space<hbm>>
      tpu.enqueue_indirect_dma source(%dma_start3A_169 : memref<10000x128xf32, #tpu.memory_space<hbm>>) target(%dma_start3A_165 : memref<128x128xf32, #tpu.memory_space<vmem>>) offsets(%dma_start3A_166 : memref<128xi32, #tpu.memory_space<vmem>>) semaphore(%arg15 : memref<!tpu.dma_semaphore, #tpu.memory_space<semaphore_mem>>)
      %dma_start3A_170 = arith.constant 0 : i32
      %dma_start3A_171 = arith.constant 0 : i32
      %dma_start3A_172 = tpu.memref_slice %arg4[%add3A, %add3A_143, %dma_start3A_170, %dma_start3A_171] : memref<32x78x1x128xi32, #tpu.memory_space<hbm>> -> memref<1x1x1x128xi32, #tpu.memory_space<hbm>>
      %dma_start3A_173 = tpu.memref_squeeze %dma_start3A_172 : memref<1x1x1x128xi32, #tpu.memory_space<hbm>> -> memref<1x128xi32, #tpu.memory_space<hbm>>
      %dma_start3A_174 = arith.constant 0 : i32
      %dma_start3A_175 = arith.constant 0 : i32
      %dma_start3A_176 = tpu.memref_slice %arg4[%add3A, %add3A_143, %dma_start3A_174, %dma_start3A_175] : memref<32x78x1x128xi32, #tpu.memory_space<hbm>> -> memref<1x1x1x128xi32, #tpu.memory_space<hbm>>
      %dma_start3A_177 = tpu.memref_squeeze %dma_start3A_176 : memref<1x1x1x128xi32, #tpu.memory_space<hbm>> -> memref<1x128xi32, #tpu.memory_space<hbm>>
      tpu.enqueue_dma source(%dma_start3A_177 : memref<1x128xi32, #tpu.memory_space<hbm>>) target(%arg9 : memref<1x128xi32, #tpu.memory_space<vmem>>) target_semaphore(%arg19 : memref<!tpu.dma_semaphore, #tpu.memory_space<semaphore_mem>>)
      %dma_wait3A_178 = arith.constant 0 : i32
      %dma_wait3A_179 = arith.constant 0 : i32
      %dma_wait3A_180 = tpu.memref_slice %arg4[%add3A, %mul3A_141, %dma_wait3A_178, %dma_wait3A_179] : memref<32x78x1x128xi32, #tpu.memory_space<hbm>> -> memref<1x1x1x128xi32, #tpu.memory_space<hbm>>
      %dma_wait3A_181 = tpu.memref_squeeze %dma_wait3A_180 : memref<1x1x1x128xi32, #tpu.memory_space<hbm>> -> memref<1x128xi32, #tpu.memory_space<hbm>>
      %dma_wait3A_182 = arith.constant 0 : i32
      %dma_wait3A_183 = arith.constant 0 : i32
      %dma_wait3A_184 = tpu.memref_slice %arg4[%add3A, %mul3A_141, %dma_wait3A_182, %dma_wait3A_183] : memref<32x78x1x128xi32, #tpu.memory_space<hbm>> -> memref<1x1x1x128xi32, #tpu.memory_space<hbm>>
      %dma_wait3A_185 = tpu.memref_squeeze %dma_wait3A_184 : memref<1x1x1x128xi32, #tpu.memory_space<hbm>> -> memref<1x128xi32, #tpu.memory_space<hbm>>
      tpu.wait_dma2 semaphore(%arg18 : memref<!tpu.dma_semaphore, #tpu.memory_space<semaphore_mem>>) src(%dma_wait3A_185 : memref<1x128xi32, #tpu.memory_space<hbm>>) dst(%arg8 : memref<1x128xi32, #tpu.memory_space<vmem>>)
      %dma_start3A_186 = arith.constant 0 : i32
      %dma_start3A_187 = arith.constant 0 : i32
      %dma_start3A_188 = arith.constant 0 : i32
      %dma_start3A_189 = arith.constant 0 : i32
      %dma_start3A_190 = tpu.memref_slice %arg11[%dma_start3A_186, %dma_start3A_188, %dma_start3A_189] : memref<2x128x128xf32, #tpu.memory_space<vmem>> -> memref<1x128x128xf32, #tpu.memory_space<vmem>>
      %dma_start3A_191 = tpu.memref_squeeze %dma_start3A_190 : memref<1x128x128xf32, #tpu.memory_space<vmem>> -> memref<128x128xf32, #tpu.memory_space<vmem>>
      %dma_start3A_192 = arith.constant 0 : i32
      %dma_start3A_193 = tpu.memref_slice %arg8[%dma_start3A_187, %dma_start3A_192] : memref<1x128xi32, #tpu.memory_space<vmem>> -> memref<1x128xi32, #tpu.memory_space<vmem>>
      %dma_start3A_194 = tpu.memref_squeeze %dma_start3A_193 : memref<1x128xi32, #tpu.memory_space<vmem>> -> memref<128xi32, #tpu.memory_space<vmem>>
      %dma_start3A_195 = arith.constant 0 : i32
      %dma_start3A_196 = arith.constant 0 : i32
      %dma_start3A_197 = tpu.memref_slice %arg12[%dma_start3A_195, %dma_start3A_196] : memref<10000x128xf32, #tpu.memory_space<vmem_shared>> -> memref<10000x128xf32, #tpu.memory_space<vmem_shared>>
      tpu.enqueue_indirect_dma source(%dma_start3A_191 : memref<128x128xf32, #tpu.memory_space<vmem>>) target(%dma_start3A_197 : memref<10000x128xf32, #tpu.memory_space<vmem_shared>>) offsets(%dma_start3A_194 : memref<128xi32, #tpu.memory_space<vmem>>) semaphore(%arg16 : memref<!tpu.dma_semaphore, #tpu.memory_space<semaphore_mem>>) {add = true}
      %mul3A_198 = arith.constant 128 : i32
      %mul3A_199 = arith.muli %add3A_143, %mul3A_198 : i32
      %dma_wait3A_200 = arith.constant 1 : i32
      %dma_wait3A_201 = arith.constant 0 : i32
      %dma_wait3A_202 = arith.constant 0 : i32
      %dma_wait3A_203 = tpu.memref_slice %arg11[%dma_wait3A_200, %dma_wait3A_201, %dma_wait3A_202] : memref<2x128x128xf32, #tpu.memory_space<vmem>> -> memref<1x128x128xf32, #tpu.memory_space<vmem>>
      %dma_wait3A_204 = tpu.memref_squeeze %dma_wait3A_203 : memref<1x128x128xf32, #tpu.memory_space<vmem>> -> memref<128x128xf32, #tpu.memory_space<vmem>>
      %dma_wait3A_205 = tpu.memref_slice %arg7[%mul3A_199] : memref<10000xi32, #tpu.memory_space<vmem>> -> memref<128xi32, #tpu.memory_space<vmem>>
      %dma_wait3A_206 = arith.constant 0 : i32
      %dma_wait3A_207 = arith.constant 0 : i32
      %dma_wait3A_208 = tpu.memref_slice %arg2[%dma_wait3A_206, %dma_wait3A_207] : memref<10000x128xf32, #tpu.memory_space<hbm>> -> memref<10000x128xf32, #tpu.memory_space<hbm>>
      tpu.wait_indirect_dma semaphore(%arg15 : memref<!tpu.dma_semaphore, #tpu.memory_space<semaphore_mem>>) src(%dma_wait3A_208 : memref<10000x128xf32, #tpu.memory_space<hbm>>) dst(%dma_wait3A_204 : memref<128x128xf32, #tpu.memory_space<vmem>>)
      %dma_wait3A_209 = arith.constant 0 : i32
      %dma_wait3A_210 = arith.constant 0 : i32
      %dma_wait3A_211 = arith.constant 0 : i32
      %dma_wait3A_212 = arith.constant 0 : i32
      %dma_wait3A_213 = tpu.memref_slice %arg11[%dma_wait3A_209, %dma_wait3A_211, %dma_wait3A_212] : memref<2x128x128xf32, #tpu.memory_space<vmem>> -> memref<1x128x128xf32, #tpu.memory_space<vmem>>
      %dma_wait3A_214 = tpu.memref_squeeze %dma_wait3A_213 : memref<1x128x128xf32, #tpu.memory_space<vmem>> -> memref<128x128xf32, #tpu.memory_space<vmem>>
      %dma_wait3A_215 = arith.constant 0 : i32
      %dma_wait3A_216 = tpu.memref_slice %arg8[%dma_wait3A_210, %dma_wait3A_215] : memref<1x128xi32, #tpu.memory_space<vmem>> -> memref<1x128xi32, #tpu.memory_space<vmem>>
      %dma_wait3A_217 = tpu.memref_squeeze %dma_wait3A_216 : memref<1x128xi32, #tpu.memory_space<vmem>> -> memref<128xi32, #tpu.memory_space<vmem>>
      %dma_wait3A_218 = arith.constant 0 : i32
      %dma_wait3A_219 = arith.constant 0 : i32
      %dma_wait3A_220 = tpu.memref_slice %arg12[%dma_wait3A_218, %dma_wait3A_219] : memref<10000x128xf32, #tpu.memory_space<vmem_shared>> -> memref<10000x128xf32, #tpu.memory_space<vmem_shared>>
      tpu.wait_indirect_dma semaphore(%arg16 : memref<!tpu.dma_semaphore, #tpu.memory_space<semaphore_mem>>) src(%dma_wait3A_214 : memref<128x128xf32, #tpu.memory_space<vmem>>) dst(%dma_wait3A_220 : memref<10000x128xf32, #tpu.memory_space<vmem_shared>>)
      %add3A_221 = arith.constant 2 : i32
      %add3A_222 = arith.addi %mul3A_141, %add3A_221 : i32
      %lt3A = arith.constant 78 : i32
      %lt3A_223 = arith.cmpi slt, %add3A_222, %lt3A : i32
      %convert_element_type3A_224 = arith.extui %lt3A_223 : i1 to i32
      %cond3A_225 = arith.constant 0 : i32
      %cond3A_226 = arith.cmpi ne, %convert_element_type3A_224, %cond3A_225 : i32
      scf.if %cond3A_226 {
        %add3A_248 = arith.constant 2 : i32
        %add3A_249 = arith.addi %mul3A_141, %add3A_248 : i32
        %dma_start3A_250 = arith.constant 0 : i32
        %dma_start3A_251 = arith.constant 0 : i32
        %dma_start3A_252 = tpu.memref_slice %arg4[%add3A, %add3A_249, %dma_start3A_250, %dma_start3A_251] : memref<32x78x1x128xi32, #tpu.memory_space<hbm>> -> memref<1x1x1x128xi32, #tpu.memory_space<hbm>>
        %dma_start3A_253 = tpu.memref_squeeze %dma_start3A_252 : memref<1x1x1x128xi32, #tpu.memory_space<hbm>> -> memref<1x128xi32, #tpu.memory_space<hbm>>
        %dma_start3A_254 = arith.constant 0 : i32
        %dma_start3A_255 = arith.constant 0 : i32
        %dma_start3A_256 = tpu.memref_slice %arg4[%add3A, %add3A_249, %dma_start3A_254, %dma_start3A_255] : memref<32x78x1x128xi32, #tpu.memory_space<hbm>> -> memref<1x1x1x128xi32, #tpu.memory_space<hbm>>
        %dma_start3A_257 = tpu.memref_squeeze %dma_start3A_256 : memref<1x1x1x128xi32, #tpu.memory_space<hbm>> -> memref<1x128xi32, #tpu.memory_space<hbm>>
        tpu.enqueue_dma source(%dma_start3A_257 : memref<1x128xi32, #tpu.memory_space<hbm>>) target(%arg8 : memref<1x128xi32, #tpu.memory_space<vmem>>) target_semaphore(%arg18 : memref<!tpu.dma_semaphore, #tpu.memory_space<semaphore_mem>>)
        %add3A_258 = arith.constant 2 : i32
        %add3A_259 = arith.addi %mul3A_141, %add3A_258 : i32
        %mul3A_260 = arith.constant 128 : i32
        %mul3A_261 = arith.muli %add3A_259, %mul3A_260 : i32
        %dma_start3A_262 = arith.constant 0 : i32
        %dma_start3A_263 = arith.constant 0 : i32
        %dma_start3A_264 = arith.constant 0 : i32
        %dma_start3A_265 = tpu.memref_slice %arg11[%dma_start3A_262, %dma_start3A_263, %dma_start3A_264] : memref<2x128x128xf32, #tpu.memory_space<vmem>> -> memref<1x128x128xf32, #tpu.memory_space<vmem>>
        %dma_start3A_266 = tpu.memref_squeeze %dma_start3A_265 : memref<1x128x128xf32, #tpu.memory_space<vmem>> -> memref<128x128xf32, #tpu.memory_space<vmem>>
        %dma_start3A_267 = tpu.memref_slice %arg7[%mul3A_261] : memref<10000xi32, #tpu.memory_space<vmem>> -> memref<128xi32, #tpu.memory_space<vmem>>
        %dma_start3A_268 = arith.constant 0 : i32
        %dma_start3A_269 = arith.constant 0 : i32
        %dma_start3A_270 = tpu.memref_slice %arg2[%dma_start3A_268, %dma_start3A_269] : memref<10000x128xf32, #tpu.memory_space<hbm>> -> memref<10000x128xf32, #tpu.memory_space<hbm>>
        tpu.enqueue_indirect_dma source(%dma_start3A_270 : memref<10000x128xf32, #tpu.memory_space<hbm>>) target(%dma_start3A_266 : memref<128x128xf32, #tpu.memory_space<vmem>>) offsets(%dma_start3A_267 : memref<128xi32, #tpu.memory_space<vmem>>) semaphore(%arg14 : memref<!tpu.dma_semaphore, #tpu.memory_space<semaphore_mem>>)
      } else {
      }
      %dma_wait3A_227 = arith.constant 0 : i32
      %dma_wait3A_228 = arith.constant 0 : i32
      %dma_wait3A_229 = tpu.memref_slice %arg4[%add3A, %add3A_143, %dma_wait3A_227, %dma_wait3A_228] : memref<32x78x1x128xi32, #tpu.memory_space<hbm>> -> memref<1x1x1x128xi32, #tpu.memory_space<hbm>>
      %dma_wait3A_230 = tpu.memref_squeeze %dma_wait3A_229 : memref<1x1x1x128xi32, #tpu.memory_space<hbm>> -> memref<1x128xi32, #tpu.memory_space<hbm>>
      %dma_wait3A_231 = arith.constant 0 : i32
      %dma_wait3A_232 = arith.constant 0 : i32
      %dma_wait3A_233 = tpu.memref_slice %arg4[%add3A, %add3A_143, %dma_wait3A_231, %dma_wait3A_232] : memref<32x78x1x128xi32, #tpu.memory_space<hbm>> -> memref<1x1x1x128xi32, #tpu.memory_space<hbm>>
      %dma_wait3A_234 = tpu.memref_squeeze %dma_wait3A_233 : memref<1x1x1x128xi32, #tpu.memory_space<hbm>> -> memref<1x128xi32, #tpu.memory_space<hbm>>
      tpu.wait_dma2 semaphore(%arg19 : memref<!tpu.dma_semaphore, #tpu.memory_space<semaphore_mem>>) src(%dma_wait3A_234 : memref<1x128xi32, #tpu.memory_space<hbm>>) dst(%arg9 : memref<1x128xi32, #tpu.memory_space<vmem>>)
      %dma_start3A_235 = arith.constant 1 : i32
      %dma_start3A_236 = arith.constant 0 : i32
      %dma_start3A_237 = arith.constant 0 : i32
      %dma_start3A_238 = arith.constant 0 : i32
      %dma_start3A_239 = tpu.memref_slice %arg11[%dma_start3A_235, %dma_start3A_237, %dma_start3A_238] : memref<2x128x128xf32, #tpu.memory_space<vmem>> -> memref<1x128x128xf32, #tpu.memory_space<vmem>>
      %dma_start3A_240 = tpu.memref_squeeze %dma_start3A_239 : memref<1x128x128xf32, #tpu.memory_space<vmem>> -> memref<128x128xf32, #tpu.memory_space<vmem>>
      %dma_start3A_241 = arith.constant 0 : i32
      %dma_start3A_242 = tpu.memref_slice %arg9[%dma_start3A_236, %dma_start3A_241] : memref<1x128xi32, #tpu.memory_space<vmem>> -> memref<1x128xi32, #tpu.memory_space<vmem>>
      %dma_start3A_243 = tpu.memref_squeeze %dma_start3A_242 : memref<1x128xi32, #tpu.memory_space<vmem>> -> memref<128xi32, #tpu.memory_space<vmem>>
      %dma_start3A_244 = arith.constant 0 : i32
      %dma_start3A_245 = arith.constant 0 : i32
      %dma_start3A_246 = tpu.memref_slice %arg12[%dma_start3A_244, %dma_start3A_245] : memref<10000x128xf32, #tpu.memory_space<vmem_shared>> -> memref<10000x128xf32, #tpu.memory_space<vmem_shared>>
      tpu.enqueue_indirect_dma source(%dma_start3A_240 : memref<128x128xf32, #tpu.memory_space<vmem>>) target(%dma_start3A_246 : memref<10000x128xf32, #tpu.memory_space<vmem_shared>>) offsets(%dma_start3A_243 : memref<128xi32, #tpu.memory_space<vmem>>) semaphore(%arg17 : memref<!tpu.dma_semaphore, #tpu.memory_space<semaphore_mem>>) {add = true}
      %scan3A_247 = arith.constant 0 : i32
      scf.yield %scan3A_247 : i32
    }
    %scan3A_75 = arith.constant 39 : i32
    %multiple_of3A_76 = arith.constant 9984 : i32
    %multiple_of3A_77 = tpu.assume_multiple %multiple_of3A_76, 8 : i32
    %dma_start3A_78 = arith.constant 0 : i32
    %dma_start3A_79 = arith.constant 0 : i32
    %dma_start3A_80 = arith.constant 0 : i32
    %dma_start3A_81 = tpu.memref_slice %arg11[%dma_start3A_78, %dma_start3A_79, %dma_start3A_80] : memref<2x128x128xf32, #tpu.memory_space<vmem>> -> memref<1x16x128xf32, #tpu.memory_space<vmem>>
    %dma_start3A_82 = tpu.memref_squeeze %dma_start3A_81 : memref<1x16x128xf32, #tpu.memory_space<vmem>> -> memref<16x128xf32, #tpu.memory_space<vmem>>
    %dma_start3A_83 = tpu.memref_slice %arg7[%multiple_of3A_77] : memref<10000xi32, #tpu.memory_space<vmem>> -> memref<16xi32, #tpu.memory_space<vmem>>
    %dma_start3A_84 = arith.constant 0 : i32
    %dma_start3A_85 = arith.constant 0 : i32
    %dma_start3A_86 = tpu.memref_slice %arg2[%dma_start3A_84, %dma_start3A_85] : memref<10000x128xf32, #tpu.memory_space<hbm>> -> memref<10000x128xf32, #tpu.memory_space<hbm>>
    tpu.enqueue_indirect_dma source(%dma_start3A_86 : memref<10000x128xf32, #tpu.memory_space<hbm>>) target(%dma_start3A_82 : memref<16x128xf32, #tpu.memory_space<vmem>>) offsets(%dma_start3A_83 : memref<16xi32, #tpu.memory_space<vmem>>) semaphore(%arg14 : memref<!tpu.dma_semaphore, #tpu.memory_space<semaphore_mem>>)
    %dma_wait3A_87 = arith.constant 0 : i32
    %dma_wait3A_88 = arith.constant 0 : i32
    %dma_wait3A_89 = arith.constant 0 : i32
    %dma_wait3A_90 = tpu.memref_slice %arg11[%dma_wait3A_87, %dma_wait3A_88, %dma_wait3A_89] : memref<2x128x128xf32, #tpu.memory_space<vmem>> -> memref<1x16x128xf32, #tpu.memory_space<vmem>>
    %dma_wait3A_91 = tpu.memref_squeeze %dma_wait3A_90 : memref<1x16x128xf32, #tpu.memory_space<vmem>> -> memref<16x128xf32, #tpu.memory_space<vmem>>
    %dma_wait3A_92 = tpu.memref_slice %arg7[%multiple_of3A_77] : memref<10000xi32, #tpu.memory_space<vmem>> -> memref<16xi32, #tpu.memory_space<vmem>>
    %dma_wait3A_93 = arith.constant 0 : i32
    %dma_wait3A_94 = arith.constant 0 : i32
    %dma_wait3A_95 = tpu.memref_slice %arg2[%dma_wait3A_93, %dma_wait3A_94] : memref<10000x128xf32, #tpu.memory_space<hbm>> -> memref<10000x128xf32, #tpu.memory_space<hbm>>
    tpu.wait_indirect_dma semaphore(%arg14 : memref<!tpu.dma_semaphore, #tpu.memory_space<semaphore_mem>>) src(%dma_wait3A_95 : memref<10000x128xf32, #tpu.memory_space<hbm>>) dst(%dma_wait3A_91 : memref<16x128xf32, #tpu.memory_space<vmem>>)
    %dma_start3A_96 = arith.constant 0 : i32
    %dma_start3A_97 = arith.constant 0 : i32
    %dma_start3A_98 = arith.constant 0 : i32
    %dma_start3A_99 = arith.constant 0 : i32
    %dma_start3A_100 = tpu.memref_slice %arg11[%dma_start3A_96, %dma_start3A_98, %dma_start3A_99] : memref<2x128x128xf32, #tpu.memory_space<vmem>> -> memref<1x16x128xf32, #tpu.memory_space<vmem>>
    %dma_start3A_101 = tpu.memref_squeeze %dma_start3A_100 : memref<1x16x128xf32, #tpu.memory_space<vmem>> -> memref<16x128xf32, #tpu.memory_space<vmem>>
    %dma_start3A_102 = arith.constant 0 : i32
    %dma_start3A_103 = tpu.memref_slice %arg10[%dma_start3A_97, %dma_start3A_102] : memref<1x16xi32, #tpu.memory_space<vmem>> -> memref<1x16xi32, #tpu.memory_space<vmem>>
    %dma_start3A_104 = tpu.memref_squeeze %dma_start3A_103 : memref<1x16xi32, #tpu.memory_space<vmem>> -> memref<16xi32, #tpu.memory_space<vmem>>
    %dma_start3A_105 = arith.constant 0 : i32
    %dma_start3A_106 = arith.constant 0 : i32
    %dma_start3A_107 = tpu.memref_slice %arg12[%dma_start3A_105, %dma_start3A_106] : memref<10000x128xf32, #tpu.memory_space<vmem_shared>> -> memref<10000x128xf32, #tpu.memory_space<vmem_shared>>
    tpu.enqueue_indirect_dma source(%dma_start3A_101 : memref<16x128xf32, #tpu.memory_space<vmem>>) target(%dma_start3A_107 : memref<10000x128xf32, #tpu.memory_space<vmem_shared>>) offsets(%dma_start3A_104 : memref<16xi32, #tpu.memory_space<vmem>>) semaphore(%arg16 : memref<!tpu.dma_semaphore, #tpu.memory_space<semaphore_mem>>) {add = true}
    %dma_wait3A_108 = arith.constant 0 : i32
    %dma_wait3A_109 = arith.constant 0 : i32
    %dma_wait3A_110 = arith.constant 0 : i32
    %dma_wait3A_111 = arith.constant 0 : i32
    %dma_wait3A_112 = tpu.memref_slice %arg11[%dma_wait3A_108, %dma_wait3A_110, %dma_wait3A_111] : memref<2x128x128xf32, #tpu.memory_space<vmem>> -> memref<1x16x128xf32, #tpu.memory_space<vmem>>
    %dma_wait3A_113 = tpu.memref_squeeze %dma_wait3A_112 : memref<1x16x128xf32, #tpu.memory_space<vmem>> -> memref<16x128xf32, #tpu.memory_space<vmem>>
    %dma_wait3A_114 = arith.constant 0 : i32
    %dma_wait3A_115 = tpu.memref_slice %arg10[%dma_wait3A_109, %dma_wait3A_114] : memref<1x16xi32, #tpu.memory_space<vmem>> -> memref<1x16xi32, #tpu.memory_space<vmem>>
    %dma_wait3A_116 = tpu.memref_squeeze %dma_wait3A_115 : memref<1x16xi32, #tpu.memory_space<vmem>> -> memref<16xi32, #tpu.memory_space<vmem>>
    %dma_wait3A_117 = arith.constant 0 : i32
    %dma_wait3A_118 = arith.constant 0 : i32
    %dma_wait3A_119 = tpu.memref_slice %arg12[%dma_wait3A_117, %dma_wait3A_118] : memref<10000x128xf32, #tpu.memory_space<vmem_shared>> -> memref<10000x128xf32, #tpu.memory_space<vmem_shared>>
    tpu.wait_indirect_dma semaphore(%arg16 : memref<!tpu.dma_semaphore, #tpu.memory_space<semaphore_mem>>) src(%dma_wait3A_113 : memref<16x128xf32, #tpu.memory_space<vmem>>) dst(%dma_wait3A_119 : memref<10000x128xf32, #tpu.memory_space<vmem_shared>>)
    %dma_wait3A_120 = arith.constant 1 : i32
    %dma_wait3A_121 = arith.constant 0 : i32
    %dma_wait3A_122 = arith.constant 0 : i32
    %dma_wait3A_123 = arith.constant 0 : i32
    %dma_wait3A_124 = tpu.memref_slice %arg11[%dma_wait3A_120, %dma_wait3A_122, %dma_wait3A_123] : memref<2x128x128xf32, #tpu.memory_space<vmem>> -> memref<1x128x128xf32, #tpu.memory_space<vmem>>
    %dma_wait3A_125 = tpu.memref_squeeze %dma_wait3A_124 : memref<1x128x128xf32, #tpu.memory_space<vmem>> -> memref<128x128xf32, #tpu.memory_space<vmem>>
    %dma_wait3A_126 = arith.constant 0 : i32
    %dma_wait3A_127 = tpu.memref_slice %arg9[%dma_wait3A_121, %dma_wait3A_126] : memref<1x128xi32, #tpu.memory_space<vmem>> -> memref<1x128xi32, #tpu.memory_space<vmem>>
    %dma_wait3A_128 = tpu.memref_squeeze %dma_wait3A_127 : memref<1x128xi32, #tpu.memory_space<vmem>> -> memref<128xi32, #tpu.memory_space<vmem>>
    %dma_wait3A_129 = arith.constant 0 : i32
    %dma_wait3A_130 = arith.constant 0 : i32
    %dma_wait3A_131 = tpu.memref_slice %arg12[%dma_wait3A_129, %dma_wait3A_130] : memref<10000x128xf32, #tpu.memory_space<vmem_shared>> -> memref<10000x128xf32, #tpu.memory_space<vmem_shared>>
    tpu.wait_indirect_dma semaphore(%arg17 : memref<!tpu.dma_semaphore, #tpu.memory_space<semaphore_mem>>) src(%dma_wait3A_125 : memref<128x128xf32, #tpu.memory_space<vmem>>) dst(%dma_wait3A_131 : memref<10000x128xf32, #tpu.memory_space<vmem_shared>>)
    %barrier3A_132 = arith.constant 0 : index
    tpu.barrier barrier_id(%barrier3A_132)
    "tpu.region"() ({
      %run_scoped3A = tpu.sem_alloc : memref<!tpu.dma_semaphore, #tpu.memory_space<semaphore_mem>>
      %dma_start3A_138 = arith.constant 0 : i32
      %dma_start3A_139 = tpu.memref_slice %arg6[%arg0, %mul3A_28, %dma_start3A_138] : memref<2x10000x128xf32, #tpu.memory_space<hbm>> -> memref<1x624x128xf32, #tpu.memory_space<hbm>>
      %dma_start3A_140 = tpu.memref_squeeze %dma_start3A_139 : memref<1x624x128xf32, #tpu.memory_space<hbm>> -> memref<624x128xf32, #tpu.memory_space<hbm>>
      %dma_start3A_141 = arith.constant 0 : i32
      %dma_start3A_142 = tpu.memref_slice %arg12[%mul3A_28, %dma_start3A_141] : memref<10000x128xf32, #tpu.memory_space<vmem_shared>> -> memref<624x128xf32, #tpu.memory_space<vmem_shared>>
      tpu.enqueue_dma source(%dma_start3A_142 : memref<624x128xf32, #tpu.memory_space<vmem_shared>>) target(%dma_start3A_140 : memref<624x128xf32, #tpu.memory_space<hbm>>) target_semaphore(%run_scoped3A : memref<!tpu.dma_semaphore, #tpu.memory_space<semaphore_mem>>)
      %dma_wait3A_143 = arith.constant 0 : i32
      %dma_wait3A_144 = tpu.memref_slice %arg6[%arg0, %mul3A_28, %dma_wait3A_143] : memref<2x10000x128xf32, #tpu.memory_space<hbm>> -> memref<1x624x128xf32, #tpu.memory_space<hbm>>
      %dma_wait3A_145 = tpu.memref_squeeze %dma_wait3A_144 : memref<1x624x128xf32, #tpu.memory_space<hbm>> -> memref<624x128xf32, #tpu.memory_space<hbm>>
      %dma_wait3A_146 = arith.constant 0 : i32
      %dma_wait3A_147 = tpu.memref_slice %arg12[%mul3A_28, %dma_wait3A_146] : memref<10000x128xf32, #tpu.memory_space<vmem_shared>> -> memref<624x128xf32, #tpu.memory_space<vmem_shared>>
      tpu.wait_dma2 semaphore(%run_scoped3A : memref<!tpu.dma_semaphore, #tpu.memory_space<semaphore_mem>>) src(%dma_wait3A_147 : memref<624x128xf32, #tpu.memory_space<vmem_shared>>) dst(%dma_wait3A_145 : memref<624x128xf32, #tpu.memory_space<hbm>>)
      tpu.yield
    }) : () -> ()
    %eq3A_133 = arith.constant 15 : i32
    %eq3A_134 = arith.cmpi eq, %arg1, %eq3A_133 : i32
    %convert_element_type3A_135 = arith.extui %eq3A_134 : i1 to i32
    %cond3A_136 = arith.constant 0 : i32
    %cond3A_137 = arith.cmpi ne, %convert_element_type3A_135, %cond3A_136 : i32
    scf.if %cond3A_137 {
      "tpu.region"() ({
        %run_scoped3A = tpu.sem_alloc : memref<!tpu.dma_semaphore, #tpu.memory_space<semaphore_mem>>
        %dma_start3A_138 = arith.constant 9984 : i32
        %dma_start3A_139 = arith.constant 0 : i32
        %dma_start3A_140 = tpu.memref_slice %arg6[%arg0, %dma_start3A_138, %dma_start3A_139] : memref<2x10000x128xf32, #tpu.memory_space<hbm>> -> memref<1x16x128xf32, #tpu.memory_space<hbm>>
        %dma_start3A_141 = tpu.memref_squeeze %dma_start3A_140 : memref<1x16x128xf32, #tpu.memory_space<hbm>> -> memref<16x128xf32, #tpu.memory_space<hbm>>
        %dma_start3A_142 = arith.constant 9984 : i32
        %dma_start3A_143 = arith.constant 0 : i32
        %dma_start3A_144 = tpu.memref_slice %arg12[%dma_start3A_142, %dma_start3A_143] : memref<10000x128xf32, #tpu.memory_space<vmem_shared>> -> memref<16x128xf32, #tpu.memory_space<vmem_shared>>
        tpu.enqueue_dma source(%dma_start3A_144 : memref<16x128xf32, #tpu.memory_space<vmem_shared>>) target(%dma_start3A_141 : memref<16x128xf32, #tpu.memory_space<hbm>>) target_semaphore(%run_scoped3A : memref<!tpu.dma_semaphore, #tpu.memory_space<semaphore_mem>>)
        %dma_wait3A_145 = arith.constant 9984 : i32
        %dma_wait3A_146 = arith.constant 0 : i32
        %dma_wait3A_147 = tpu.memref_slice %arg6[%arg0, %dma_wait3A_145, %dma_wait3A_146] : memref<2x10000x128xf32, #tpu.memory_space<hbm>> -> memref<1x16x128xf32, #tpu.memory_space<hbm>>
        %dma_wait3A_148 = tpu.memref_squeeze %dma_wait3A_147 : memref<1x16x128xf32, #tpu.memory_space<hbm>> -> memref<16x128xf32, #tpu.memory_space<hbm>>
        %dma_wait3A_149 = arith.constant 9984 : i32
        %dma_wait3A_150 = arith.constant 0 : i32
        %dma_wait3A_151 = tpu.memref_slice %arg12[%dma_wait3A_149, %dma_wait3A_150] : memref<10000x128xf32, #tpu.memory_space<vmem_shared>> -> memref<16x128xf32, #tpu.memory_space<vmem_shared>>
        tpu.wait_dma2 semaphore(%run_scoped3A : memref<!tpu.dma_semaphore, #tpu.memory_space<semaphore_mem>>) src(%dma_wait3A_151 : memref<16x128xf32, #tpu.memory_space<vmem_shared>>) dst(%dma_wait3A_148 : memref<16x128xf32, #tpu.memory_space<hbm>>)
        tpu.yield
      }) : () -> ()
    } else {
    }
    return
  }
}

#map = affine_map<(d0, d1) -> (0, 0)>
#map1 = affine_map<(d0, d1) -> (0)>
#map2 = affine_map<(d0, d1) -> (0, 0, 0, 0)>
#map3 = affine_map<(d0, d1) -> (0, 0, 0)>
module attributes {stable_mosaic.version = 14 : i64} {
  func.func @_seg_sum_body(%arg0: i32, %arg1: i32, %arg2: memref<10000x128xf32, #tpu.memory_space<hbm>>, %arg3: memref<320000xi32, #tpu.memory_space<hbm>>, %arg4: memref<32x78x1x128xi32, #tpu.memory_space<hbm>>, %arg5: memref<32x1x16xi32, #tpu.memory_space<hbm>>, %arg6: memref<2x10000x128xf32, #tpu.memory_space<hbm>>, %arg7: memref<10000xi32, #tpu.memory_space<vmem>>, %arg8: memref<1x128xi32, #tpu.memory_space<vmem>>, %arg9: memref<1x128xi32, #tpu.memory_space<vmem>>, %arg10: memref<1x16xi32, #tpu.memory_space<vmem>>, %arg11: memref<2x128x128xf32, #tpu.memory_space<vmem>>, %arg12: memref<10000x128xf32, #tpu.memory_space<vmem_shared>>, %arg13: memref<!tpu.dma_semaphore, #tpu.memory_space<semaphore_mem>>, %arg14: memref<!tpu.dma_semaphore, #tpu.memory_space<semaphore_mem>>, %arg15: memref<!tpu.dma_semaphore, #tpu.memory_space<semaphore_mem>>, %arg16: memref<!tpu.dma_semaphore, #tpu.memory_space<semaphore_mem>>, %arg17: memref<!tpu.dma_semaphore, #tpu.memory_space<semaphore_mem>>, %arg18: memref<!tpu.dma_semaphore, #tpu.memory_space<semaphore_mem>>, %arg19: memref<!tpu.dma_semaphore, #tpu.memory_space<semaphore_mem>>) attributes {dimension_semantics = [#tpu.dimension_semantics<core_parallel>, #tpu.dimension_semantics<subcore_parallel>], iteration_bounds = array<i64: 2, 16>, scalar_prefetch = 0 : i64, scratch_operands = 13 : i64, tpu.core_type = #tpu.core_type<sc_vector_subcore>, window_params = [{transform_indices = #map}, {transform_indices = #map1}, {transform_indices = #map2}, {transform_indices = #map3}, {transform_indices = #map3}]} {
    %mul3A = arith.constant 2 : i32
    %mul3A_0 = arith.muli %arg1, %mul3A : i32
    %add3A = arith.addi %mul3A_0, %arg0 : i32
    %mul3A_1 = arith.constant 10000 : i32
    %mul3A_2 = arith.muli %add3A, %mul3A_1 : i32
    %multiple_of3A = tpu.assume_multiple %mul3A_2, 8 : i32
    %dma_start3A = tpu.memref_slice %arg3[%multiple_of3A] : memref<320000xi32, #tpu.memory_space<hbm>> -> memref<10000xi32, #tpu.memory_space<hbm>>
    %dma_start3A_3 = tpu.memref_slice %arg3[%multiple_of3A] : memref<320000xi32, #tpu.memory_space<hbm>> -> memref<10000xi32, #tpu.memory_space<hbm>>
    tpu.enqueue_dma source(%dma_start3A_3 : memref<10000xi32, #tpu.memory_space<hbm>>) target(%arg7 : memref<10000xi32, #tpu.memory_space<vmem>>) target_semaphore(%arg13 : memref<!tpu.dma_semaphore, #tpu.memory_space<semaphore_mem>>)
    %dma_start3A_4 = arith.constant 0 : i32
    %dma_start3A_5 = arith.constant 0 : i32
    %dma_start3A_6 = tpu.memref_slice %arg5[%add3A, %dma_start3A_4, %dma_start3A_5] : memref<32x1x16xi32, #tpu.memory_space<hbm>> -> memref<1x1x16xi32, #tpu.memory_space<hbm>>
    %dma_start3A_7 = tpu.memref_squeeze %dma_start3A_6 : memref<1x1x16xi32, #tpu.memory_space<hbm>> -> memref<1x16xi32, #tpu.memory_space<hbm>>
    %dma_start3A_8 = arith.constant 0 : i32
    %dma_start3A_9 = arith.constant 0 : i32
    %dma_start3A_10 = tpu.memref_slice %arg5[%add3A, %dma_start3A_8, %dma_start3A_9] : memref<32x1x16xi32, #tpu.memory_space<hbm>> -> memref<1x1x16xi32, #tpu.memory_space<hbm>>
    %dma_start3A_11 = tpu.memref_squeeze %dma_start3A_10 : memref<1x1x16xi32, #tpu.memory_space<hbm>> -> memref<1x16xi32, #tpu.memory_space<hbm>>
    tpu.enqueue_dma source(%dma_start3A_11 : memref<1x16xi32, #tpu.memory_space<hbm>>) target(%arg10 : memref<1x16xi32, #tpu.memory_space<vmem>>) target_semaphore(%arg13 : memref<!tpu.dma_semaphore, #tpu.memory_space<semaphore_mem>>)
    %dma_start3A_12 = arith.constant 0 : i32
    %dma_start3A_13 = arith.constant 0 : i32
    %dma_start3A_14 = arith.constant 0 : i32
    %dma_start3A_15 = tpu.memref_slice %arg4[%add3A, %dma_start3A_12, %dma_start3A_13, %dma_start3A_14] : memref<32x78x1x128xi32, #tpu.memory_space<hbm>> -> memref<1x1x1x128xi32, #tpu.memory_space<hbm>>
    %dma_start3A_16 = tpu.memref_squeeze %dma_start3A_15 : memref<1x1x1x128xi32, #tpu.memory_space<hbm>> -> memref<1x128xi32, #tpu.memory_space<hbm>>
    %dma_start3A_17 = arith.constant 0 : i32
    %dma_start3A_18 = arith.constant 0 : i32
    %dma_start3A_19 = tpu.memref_slice %arg4[%add3A, %dma_start3A_12, %dma_start3A_17, %dma_start3A_18] : memref<32x78x1x128xi32, #tpu.memory_space<hbm>> -> memref<1x1x1x128xi32, #tpu.memory_space<hbm>>
    %dma_start3A_20 = tpu.memref_squeeze %dma_start3A_19 : memref<1x1x1x128xi32, #tpu.memory_space<hbm>> -> memref<1x128xi32, #tpu.memory_space<hbm>>
    tpu.enqueue_dma source(%dma_start3A_20 : memref<1x128xi32, #tpu.memory_space<hbm>>) target(%arg8 : memref<1x128xi32, #tpu.memory_space<vmem>>) target_semaphore(%arg18 : memref<!tpu.dma_semaphore, #tpu.memory_space<semaphore_mem>>)
    %scan3A = arith.constant 0 : i32
    %scan3A_21 = arith.constant 0 : i32
    %scan3A_22 = arith.constant 384 : i32
    %scan3A_23 = arith.addi %scan3A_21, %scan3A_22 : i32
    %scan3A_24 = arith.constant 1 : i32
    %scan3A_25 = scf.for %scan3A_138 = %scan3A_21 to %scan3A_23 step %scan3A_24 iter_args(%scan3A_139 = %scan3A) -> (i32)  : i32 {
      %jit3A = arith.constant 8 : i32
      %div3A = arith.divsi %scan3A_138, %jit3A : i32
      %sign3A = arith.constant 0 : i32
      %sign3A_140 = arith.cmpi sgt, %scan3A_138, %sign3A : i32
      %sign3A_141 = arith.extui %sign3A_140 : i1 to i32
      %sign3A_142 = arith.constant 0 : i32
      %sign3A_143 = arith.cmpi slt, %scan3A_138, %sign3A_142 : i32
      %sign3A_144 = arith.extui %sign3A_143 : i1 to i32
      %sign3A_145 = arith.subi %sign3A_141, %sign3A_144 : i32
      %sign3A_146 = arith.constant 0 : i32
      %sign3A_147 = arith.cmpi sgt, %jit3A, %sign3A_146 : i32
      %sign3A_148 = arith.extui %sign3A_147 : i1 to i32
      %sign3A_149 = arith.constant 0 : i32
      %sign3A_150 = arith.cmpi slt, %jit3A, %sign3A_149 : i32
      %sign3A_151 = arith.extui %sign3A_150 : i1 to i32
      %sign3A_152 = arith.subi %sign3A_148, %sign3A_151 : i32
      %ne3A = arith.cmpi ne, %sign3A_145, %sign3A_152 : i32
      %rem3A = arith.remsi %scan3A_138, %jit3A : i32
      %ne3A_153 = arith.constant 0 : i32
      %ne3A_154 = arith.cmpi ne, %rem3A, %ne3A_153 : i32
      %and3A = arith.andi %ne3A, %ne3A_154 : i1
      %sub3A = arith.constant 1 : i32
      %sub3A_155 = arith.subi %div3A, %sub3A : i32
      %select_n3A = arith.select %and3A, %sub3A_155, %div3A : i32
      %jit3A_156 = arith.constant 8 : i32
      %eq3A_157 = arith.constant 0 : i32
      %eq3A_158 = arith.cmpi eq, %jit3A_156, %eq3A_157 : i32
      %jit3A_159 = arith.constant 1 : i32
      %select_n3A_160 = arith.select %eq3A_158, %jit3A_159, %jit3A_156 : i32
      %rem3A_161 = arith.remsi %scan3A_138, %select_n3A_160 : i32
      %ne3A_162 = arith.constant 0 : i32
      %ne3A_163 = arith.cmpi ne, %rem3A_161, %ne3A_162 : i32
      %lt3A = arith.constant 0 : i32
      %lt3A_164 = arith.cmpi slt, %rem3A_161, %lt3A : i32
      %lt3A_165 = arith.constant 0 : i32
      %lt3A_166 = arith.cmpi slt, %select_n3A_160, %lt3A_165 : i32
      %ne3A_167 = arith.xori %lt3A_164, %lt3A_166 : i1
      %and3A_168 = arith.andi %ne3A_167, %ne3A_163 : i1
      %add3A_169 = arith.addi %rem3A_161, %select_n3A_160 : i32
      %select_n3A_170 = arith.select %and3A_168, %add3A_169, %rem3A_161 : i32
      %mul3A_171 = arith.constant 16 : i32
      %mul3A_172 = arith.muli %select_n3A_170, %mul3A_171 : i32
      %broadcast_in_dim3A = arith.constant 0.000000e+00 : f32
      %broadcast_in_dim3A_173 = vector.broadcast %broadcast_in_dim3A : f32 to vector<16xf32>
      %swap3A = arith.constant 0 : i32
      %swap3A_174 = arith.index_cast %swap3A : i32 to index
      %swap3A_175 = arith.index_cast %select_n3A : i32 to index
      %swap3A_176 = arith.index_cast %mul3A_172 : i32 to index
      %swap3A_177 = tpu.vector_load %arg11[%swap3A_174, %swap3A_175, %swap3A_176] {strides = array<i32>} : memref<2x128x128xf32, #tpu.memory_space<vmem>>, vector<1x1x16xf32>,
      %swap3A_178 = vector.shape_cast %swap3A_177 : vector<1x1x16xf32> to vector<16xf32>
      %swap3A_179 = vector.shape_cast %broadcast_in_dim3A_173 : vector<16xf32> to vector<1x1x16xf32>
      tpu.vector_store %arg11[%swap3A_174, %swap3A_175, %swap3A_176], %swap3A_179 {strides = array<i32>} : memref<2x128x128xf32, #tpu.memory_space<vmem>>, vector<1x1x16xf32>,
      %scan3A_180 = arith.constant 0 : i32
      scf.yield %scan3A_180 : i32
    }
    %scan3A_26 = arith.constant 384 : i32
    %mul3A_27 = arith.constant 624 : i32
    %mul3A_28 = arith.muli %arg1, %mul3A_27 : i32
    %scan3A_29 = arith.constant 0 : i32
    %scan3A_30 = arith.constant 0 : i32
    %scan3A_31 = arith.constant 13 : i32
    %scan3A_32 = arith.addi %scan3A_30, %scan3A_31 : i32
    %scan3A_33 = arith.constant 1 : i32
    %scan3A_34 = scf.for %scan3A_138 = %scan3A_30 to %scan3A_32 step %scan3A_33 iter_args(%scan3A_139 = %scan3A_29) -> (i32)  : i32 {
      %mul3A_140 = arith.constant 48 : i32
      %mul3A_141 = arith.muli %scan3A_138, %mul3A_140 : i32
      %add3A_142 = arith.addi %mul3A_28, %mul3A_141 : i32
      %multiple_of3A_143 = tpu.assume_multiple %add3A_142, 8 : i32
      %dma_start3A_144 = arith.constant 0 : i32
      %dma_start3A_145 = arith.constant 0 : i32
      %dma_start3A_146 = arith.constant 0 : i32
      %dma_start3A_147 = tpu.memref_slice %arg11[%dma_start3A_144, %dma_start3A_145, %dma_start3A_146] : memref<2x128x128xf32, #tpu.memory_space<vmem>> -> memref<1x48x128xf32, #tpu.memory_space<vmem>>
      %dma_start3A_148 = tpu.memref_squeeze %dma_start3A_147 : memref<1x48x128xf32, #tpu.memory_space<vmem>> -> memref<48x128xf32, #tpu.memory_space<vmem>>
      %dma_start3A_149 = arith.constant 0 : i32
      %dma_start3A_150 = tpu.memref_slice %arg12[%multiple_of3A_143, %dma_start3A_149] : memref<10000x128xf32, #tpu.memory_space<vmem_shared>> -> memref<48x128xf32, #tpu.memory_space<vmem_shared>>
      %dma_start3A_151 = arith.constant 0 : i32
      %dma_start3A_152 = tpu.memref_slice %arg12[%multiple_of3A_143, %dma_start3A_151] : memref<10000x128xf32, #tpu.memory_space<vmem_shared>> -> memref<48x128xf32, #tpu.memory_space<vmem_shared>>
      %dma_start3A_153 = arith.constant 0 : i32
      %dma_start3A_154 = arith.constant 0 : i32
      %dma_start3A_155 = tpu.memref_slice %arg11[%dma_start3A_144, %dma_start3A_153, %dma_start3A_154] : memref<2x128x128xf32, #tpu.memory_space<vmem>> -> memref<1x48x128xf32, #tpu.memory_space<vmem>>
      %dma_start3A_156 = tpu.memref_squeeze %dma_start3A_155 : memref<1x48x128xf32, #tpu.memory_space<vmem>> -> memref<48x128xf32, #tpu.memory_space<vmem>>
      tpu.enqueue_dma source(%dma_start3A_156 : memref<48x128xf32, #tpu.memory_space<vmem>>) target(%dma_start3A_152 : memref<48x128xf32, #tpu.memory_space<vmem_shared>>) target_semaphore(%arg13 : memref<!tpu.dma_semaphore, #tpu.memory_space<semaphore_mem>>)
      %scan3A_157 = arith.constant 0 : i32
      scf.yield %scan3A_157 : i32
    }
    %scan3A_35 = arith.constant 13 : i32
    %eq3A = arith.constant 15 : i32
    %eq3A_36 = arith.cmpi eq, %arg1, %eq3A : i32
    %convert_element_type3A = arith.extui %eq3A_36 : i1 to i32
    %cond3A = arith.constant 0 : i32
    %cond3A_37 = arith.cmpi ne, %convert_element_type3A, %cond3A : i32
    scf.if %cond3A_37 {
      %dma_start3A_138 = arith.constant 0 : i32
      %dma_start3A_139 = arith.constant 0 : i32
      %dma_start3A_140 = arith.constant 0 : i32
      %dma_start3A_141 = tpu.memref_slice %arg11[%dma_start3A_138, %dma_start3A_139, %dma_start3A_140] : memref<2x128x128xf32, #tpu.memory_space<vmem>> -> memref<1x16x128xf32, #tpu.memory_space<vmem>>
      %dma_start3A_142 = tpu.memref_squeeze %dma_start3A_141 : memref<1x16x128xf32, #tpu.memory_space<vmem>> -> memref<16x128xf32, #tpu.memory_space<vmem>>
      %dma_start3A_143 = arith.constant 9984 : i32
      %dma_start3A_144 = arith.constant 0 : i32
      %dma_start3A_145 = tpu.memref_slice %arg12[%dma_start3A_143, %dma_start3A_144] : memref<10000x128xf32, #tpu.memory_space<vmem_shared>> -> memref<16x128xf32, #tpu.memory_space<vmem_shared>>
      %dma_start3A_146 = arith.constant 9984 : i32
      %dma_start3A_147 = arith.constant 0 : i32
      %dma_start3A_148 = tpu.memref_slice %arg12[%dma_start3A_146, %dma_start3A_147] : memref<10000x128xf32, #tpu.memory_space<vmem_shared>> -> memref<16x128xf32, #tpu.memory_space<vmem_shared>>
      %dma_start3A_149 = arith.constant 0 : i32
      %dma_start3A_150 = arith.constant 0 : i32
      %dma_start3A_151 = tpu.memref_slice %arg11[%dma_start3A_138, %dma_start3A_149, %dma_start3A_150] : memref<2x128x128xf32, #tpu.memory_space<vmem>> -> memref<1x16x128xf32, #tpu.memory_space<vmem>>
      %dma_start3A_152 = tpu.memref_squeeze %dma_start3A_151 : memref<1x16x128xf32, #tpu.memory_space<vmem>> -> memref<16x128xf32, #tpu.memory_space<vmem>>
      tpu.enqueue_dma source(%dma_start3A_152 : memref<16x128xf32, #tpu.memory_space<vmem>>) target(%dma_start3A_148 : memref<16x128xf32, #tpu.memory_space<vmem_shared>>) target_semaphore(%arg13 : memref<!tpu.dma_semaphore, #tpu.memory_space<semaphore_mem>>)
    } else {
    }
    %scan3A_38 = arith.constant 0 : i32
    %scan3A_39 = arith.constant 0 : i32
    %scan3A_40 = arith.constant 13 : i32
    %scan3A_41 = arith.addi %scan3A_39, %scan3A_40 : i32
    %scan3A_42 = arith.constant 1 : i32
    %scan3A_43 = scf.for %scan3A_138 = %scan3A_39 to %scan3A_41 step %scan3A_42 iter_args(%scan3A_139 = %scan3A_38) -> (i32)  : i32 {
      %mul3A_140 = arith.constant 48 : i32
      %mul3A_141 = arith.muli %scan3A_138, %mul3A_140 : i32
      %add3A_142 = arith.addi %mul3A_28, %mul3A_141 : i32
      %multiple_of3A_143 = tpu.assume_multiple %add3A_142, 8 : i32
      %dma_wait3A_144 = arith.constant 0 : i32
      %dma_wait3A_145 = arith.constant 0 : i32
      %dma_wait3A_146 = arith.constant 0 : i32
      %dma_wait3A_147 = tpu.memref_slice %arg11[%dma_wait3A_144, %dma_wait3A_145, %dma_wait3A_146] : memref<2x128x128xf32, #tpu.memory_space<vmem>> -> memref<1x48x128xf32, #tpu.memory_space<vmem>>
      %dma_wait3A_148 = tpu.memref_squeeze %dma_wait3A_147 : memref<1x48x128xf32, #tpu.memory_space<vmem>> -> memref<48x128xf32, #tpu.memory_space<vmem>>
      %dma_wait3A_149 = arith.constant 0 : i32
      %dma_wait3A_150 = tpu.memref_slice %arg12[%multiple_of3A_143, %dma_wait3A_149] : memref<10000x128xf32, #tpu.memory_space<vmem_shared>> -> memref<48x128xf32, #tpu.memory_space<vmem_shared>>
      %dma_wait3A_151 = arith.constant 0 : i32
      %dma_wait3A_152 = tpu.memref_slice %arg12[%multiple_of3A_143, %dma_wait3A_151] : memref<10000x128xf32, #tpu.memory_space<vmem_shared>> -> memref<48x128xf32, #tpu.memory_space<vmem_shared>>
      %dma_wait3A_153 = arith.constant 0 : i32
      %dma_wait3A_154 = arith.constant 0 : i32
      %dma_wait3A_155 = tpu.memref_slice %arg11[%dma_wait3A_144, %dma_wait3A_153, %dma_wait3A_154] : memref<2x128x128xf32, #tpu.memory_space<vmem>> -> memref<1x48x128xf32, #tpu.memory_space<vmem>>
      %dma_wait3A_156 = tpu.memref_squeeze %dma_wait3A_155 : memref<1x48x128xf32, #tpu.memory_space<vmem>> -> memref<48x128xf32, #tpu.memory_space<vmem>>
      tpu.wait_dma2 semaphore(%arg13 : memref<!tpu.dma_semaphore, #tpu.memory_space<semaphore_mem>>) src(%dma_wait3A_156 : memref<48x128xf32, #tpu.memory_space<vmem>>) dst(%dma_wait3A_152 : memref<48x128xf32, #tpu.memory_space<vmem_shared>>)
      %scan3A_157 = arith.constant 0 : i32
      scf.yield %scan3A_157 : i32
    }
    %scan3A_44 = arith.constant 13 : i32
    %eq3A_45 = arith.constant 15 : i32
    %eq3A_46 = arith.cmpi eq, %arg1, %eq3A_45 : i32
    %convert_element_type3A_47 = arith.extui %eq3A_46 : i1 to i32
    %cond3A_48 = arith.constant 0 : i32
    %cond3A_49 = arith.cmpi ne, %convert_element_type3A_47, %cond3A_48 : i32
    scf.if %cond3A_49 {
      %dma_wait3A_138 = arith.constant 0 : i32
      %dma_wait3A_139 = arith.constant 0 : i32
      %dma_wait3A_140 = arith.constant 0 : i32
      %dma_wait3A_141 = tpu.memref_slice %arg11[%dma_wait3A_138, %dma_wait3A_139, %dma_wait3A_140] : memref<2x128x128xf32, #tpu.memory_space<vmem>> -> memref<1x16x128xf32, #tpu.memory_space<vmem>>
      %dma_wait3A_142 = tpu.memref_squeeze %dma_wait3A_141 : memref<1x16x128xf32, #tpu.memory_space<vmem>> -> memref<16x128xf32, #tpu.memory_space<vmem>>
      %dma_wait3A_143 = arith.constant 9984 : i32
      %dma_wait3A_144 = arith.constant 0 : i32
      %dma_wait3A_145 = tpu.memref_slice %arg12[%dma_wait3A_143, %dma_wait3A_144] : memref<10000x128xf32, #tpu.memory_space<vmem_shared>> -> memref<16x128xf32, #tpu.memory_space<vmem_shared>>
      %dma_wait3A_146 = arith.constant 9984 : i32
      %dma_wait3A_147 = arith.constant 0 : i32
      %dma_wait3A_148 = tpu.memref_slice %arg12[%dma_wait3A_146, %dma_wait3A_147] : memref<10000x128xf32, #tpu.memory_space<vmem_shared>> -> memref<16x128xf32, #tpu.memory_space<vmem_shared>>
      %dma_wait3A_149 = arith.constant 0 : i32
      %dma_wait3A_150 = arith.constant 0 : i32
      %dma_wait3A_151 = tpu.memref_slice %arg11[%dma_wait3A_138, %dma_wait3A_149, %dma_wait3A_150] : memref<2x128x128xf32, #tpu.memory_space<vmem>> -> memref<1x16x128xf32, #tpu.memory_space<vmem>>
      %dma_wait3A_152 = tpu.memref_squeeze %dma_wait3A_151 : memref<1x16x128xf32, #tpu.memory_space<vmem>> -> memref<16x128xf32, #tpu.memory_space<vmem>>
      tpu.wait_dma2 semaphore(%arg13 : memref<!tpu.dma_semaphore, #tpu.memory_space<semaphore_mem>>) src(%dma_wait3A_152 : memref<16x128xf32, #tpu.memory_space<vmem>>) dst(%dma_wait3A_148 : memref<16x128xf32, #tpu.memory_space<vmem_shared>>)
    } else {
    }
    %dma_wait3A = tpu.memref_slice %arg3[%multiple_of3A] : memref<320000xi32, #tpu.memory_space<hbm>> -> memref<10000xi32, #tpu.memory_space<hbm>>
    %dma_wait3A_50 = tpu.memref_slice %arg3[%multiple_of3A] : memref<320000xi32, #tpu.memory_space<hbm>> -> memref<10000xi32, #tpu.memory_space<hbm>>
    tpu.wait_dma2 semaphore(%arg13 : memref<!tpu.dma_semaphore, #tpu.memory_space<semaphore_mem>>) src(%dma_wait3A_50 : memref<10000xi32, #tpu.memory_space<hbm>>) dst(%arg7 : memref<10000xi32, #tpu.memory_space<vmem>>)
    %dma_wait3A_51 = arith.constant 0 : i32
    %dma_wait3A_52 = arith.constant 0 : i32
    %dma_wait3A_53 = tpu.memref_slice %arg5[%add3A, %dma_wait3A_51, %dma_wait3A_52] : memref<32x1x16xi32, #tpu.memory_space<hbm>> -> memref<1x1x16xi32, #tpu.memory_space<hbm>>
    %dma_wait3A_54 = tpu.memref_squeeze %dma_wait3A_53 : memref<1x1x16xi32, #tpu.memory_space<hbm>> -> memref<1x16xi32, #tpu.memory_space<hbm>>
    %dma_wait3A_55 = arith.constant 0 : i32
    %dma_wait3A_56 = arith.constant 0 : i32
    %dma_wait3A_57 = tpu.memref_slice %arg5[%add3A, %dma_wait3A_55, %dma_wait3A_56] : memref<32x1x16xi32, #tpu.memory_space<hbm>> -> memref<1x1x16xi32, #tpu.memory_space<hbm>>
    %dma_wait3A_58 = tpu.memref_squeeze %dma_wait3A_57 : memref<1x1x16xi32, #tpu.memory_space<hbm>> -> memref<1x16xi32, #tpu.memory_space<hbm>>
    tpu.wait_dma2 semaphore(%arg13 : memref<!tpu.dma_semaphore, #tpu.memory_space<semaphore_mem>>) src(%dma_wait3A_58 : memref<1x16xi32, #tpu.memory_space<hbm>>) dst(%arg10 : memref<1x16xi32, #tpu.memory_space<vmem>>)
    %barrier3A = arith.constant 0 : index
    tpu.barrier barrier_id(%barrier3A)
    %dma_start3A_59 = arith.constant 0 : i32
    %dma_start3A_60 = arith.constant 0 : i32
    %dma_start3A_61 = arith.constant 0 : i32
    %dma_start3A_62 = tpu.memref_slice %arg11[%dma_start3A_59, %dma_start3A_60, %dma_start3A_61] : memref<2x128x128xf32, #tpu.memory_space<vmem>> -> memref<1x128x128xf32, #tpu.memory_space<vmem>>
    %dma_start3A_63 = tpu.memref_squeeze %dma_start3A_62 : memref<1x128x128xf32, #tpu.memory_space<vmem>> -> memref<128x128xf32, #tpu.memory_space<vmem>>
    %dma_start3A_64 = arith.constant 0 : i32
    %dma_start3A_65 = tpu.memref_slice %arg7[%dma_start3A_64] : memref<10000xi32, #tpu.memory_space<vmem>> -> memref<128xi32, #tpu.memory_space<vmem>>
    %dma_start3A_66 = arith.constant 0 : i32
    %dma_start3A_67 = arith.constant 0 : i32
    %dma_start3A_68 = tpu.memref_slice %arg2[%dma_start3A_66, %dma_start3A_67] : memref<10000x128xf32, #tpu.memory_space<hbm>> -> memref<10000x128xf32, #tpu.memory_space<hbm>>
    tpu.enqueue_indirect_dma source(%dma_start3A_68 : memref<10000x128xf32, #tpu.memory_space<hbm>>) target(%dma_start3A_63 : memref<128x128xf32, #tpu.memory_space<vmem>>) offsets(%dma_start3A_65 : memref<128xi32, #tpu.memory_space<vmem>>) semaphore(%arg14 : memref<!tpu.dma_semaphore, #tpu.memory_space<semaphore_mem>>)
    %scan3A_69 = arith.constant 0 : i32
    %scan3A_70 = arith.constant 0 : i32
    %scan3A_71 = arith.constant 39 : i32
    %scan3A_72 = arith.addi %scan3A_70, %scan3A_71 : i32
    %scan3A_73 = arith.constant 1 : i32
    %scan3A_74 = scf.for %scan3A_138 = %scan3A_70 to %scan3A_72 step %scan3A_73 iter_args(%scan3A_139 = %scan3A_69) -> (i32)  : i32 {
      %mul3A_140 = arith.constant 2 : i32
      %mul3A_141 = arith.muli %scan3A_138, %mul3A_140 : i32
      %add3A_142 = arith.constant 1 : i32
      %add3A_143 = arith.addi %mul3A_141, %add3A_142 : i32
      %mul3A_144 = arith.constant 128 : i32
      %mul3A_145 = arith.muli %mul3A_141, %mul3A_144 : i32
      %dma_wait3A_146 = arith.constant 0 : i32
      %dma_wait3A_147 = arith.constant 0 : i32
      %dma_wait3A_148 = arith.constant 0 : i32
      %dma_wait3A_149 = tpu.memref_slice %arg11[%dma_wait3A_146, %dma_wait3A_147, %dma_wait3A_148] : memref<2x128x128xf32, #tpu.memory_space<vmem>> -> memref<1x128x128xf32, #tpu.memory_space<vmem>>
      %dma_wait3A_150 = tpu.memref_squeeze %dma_wait3A_149 : memref<1x128x128xf32, #tpu.memory_space<vmem>> -> memref<128x128xf32, #tpu.memory_space<vmem>>
      %dma_wait3A_151 = tpu.memref_slice %arg7[%mul3A_145] : memref<10000xi32, #tpu.memory_space<vmem>> -> memref<128xi32, #tpu.memory_space<vmem>>
      %dma_wait3A_152 = arith.constant 0 : i32
      %dma_wait3A_153 = arith.constant 0 : i32
      %dma_wait3A_154 = tpu.memref_slice %arg2[%dma_wait3A_152, %dma_wait3A_153] : memref<10000x128xf32, #tpu.memory_space<hbm>> -> memref<10000x128xf32, #tpu.memory_space<hbm>>
      tpu.wait_indirect_dma semaphore(%arg14 : memref<!tpu.dma_semaphore, #tpu.memory_space<semaphore_mem>>) src(%dma_wait3A_154 : memref<10000x128xf32, #tpu.memory_space<hbm>>) dst(%dma_wait3A_150 : memref<128x128xf32, #tpu.memory_space<vmem>>)
      %gt3A = arith.constant 0 : i32
      %gt3A_155 = arith.cmpi sgt, %scan3A_138, %gt3A : i32
      %convert_element_type3A_156 = arith.extui %gt3A_155 : i1 to i32
      %cond3A_157 = arith.constant 0 : i32
      %cond3A_158 = arith.cmpi ne, %convert_element_type3A_156, %cond3A_157 : i32
      scf.if %cond3A_158 {
        %sub3A = arith.constant 1 : i32
        %sub3A_248 = arith.subi %mul3A_141, %sub3A : i32
        %dma_wait3A_249 = arith.constant 1 : i32
        %dma_wait3A_250 = arith.constant 0 : i32
        %dma_wait3A_251 = arith.constant 0 : i32
        %dma_wait3A_252 = arith.constant 0 : i32
        %dma_wait3A_253 = tpu.memref_slice %arg11[%dma_wait3A_249, %dma_wait3A_251, %dma_wait3A_252] : memref<2x128x128xf32, #tpu.memory_space<vmem>> -> memref<1x128x128xf32, #tpu.memory_space<vmem>>
        %dma_wait3A_254 = tpu.memref_squeeze %dma_wait3A_253 : memref<1x128x128xf32, #tpu.memory_space<vmem>> -> memref<128x128xf32, #tpu.memory_space<vmem>>
        %dma_wait3A_255 = arith.constant 0 : i32
        %dma_wait3A_256 = tpu.memref_slice %arg9[%dma_wait3A_250, %dma_wait3A_255] : memref<1x128xi32, #tpu.memory_space<vmem>> -> memref<1x128xi32, #tpu.memory_space<vmem>>
        %dma_wait3A_257 = tpu.memref_squeeze %dma_wait3A_256 : memref<1x128xi32, #tpu.memory_space<vmem>> -> memref<128xi32, #tpu.memory_space<vmem>>
        %dma_wait3A_258 = arith.constant 0 : i32
        %dma_wait3A_259 = arith.constant 0 : i32
        %dma_wait3A_260 = tpu.memref_slice %arg12[%dma_wait3A_258, %dma_wait3A_259] : memref<10000x128xf32, #tpu.memory_space<vmem_shared>> -> memref<10000x128xf32, #tpu.memory_space<vmem_shared>>
        tpu.wait_indirect_dma semaphore(%arg17 : memref<!tpu.dma_semaphore, #tpu.memory_space<semaphore_mem>>) src(%dma_wait3A_254 : memref<128x128xf32, #tpu.memory_space<vmem>>) dst(%dma_wait3A_260 : memref<10000x128xf32, #tpu.memory_space<vmem_shared>>)
      } else {
      }
      %mul3A_159 = arith.constant 128 : i32
      %mul3A_160 = arith.muli %add3A_143, %mul3A_159 : i32
      %dma_start3A_161 = arith.constant 1 : i32
      %dma_start3A_162 = arith.constant 0 : i32
      %dma_start3A_163 = arith.constant 0 : i32
      %dma_start3A_164 = tpu.memref_slice %arg11[%dma_start3A_161, %dma_start3A_162, %dma_start3A_163] : memref<2x128x128xf32, #tpu.memory_space<vmem>> -> memref<1x128x128xf32, #tpu.memory_space<vmem>>
      %dma_start3A_165 = tpu.memref_squeeze %dma_start3A_164 : memref<1x128x128xf32, #tpu.memory_space<vmem>> -> memref<128x128xf32, #tpu.memory_space<vmem>>
      %dma_start3A_166 = tpu.memref_slice %arg7[%mul3A_160] : memref<10000xi32, #tpu.memory_space<vmem>> -> memref<128xi32, #tpu.memory_space<vmem>>
      %dma_start3A_167 = arith.constant 0 : i32
      %dma_start3A_168 = arith.constant 0 : i32
      %dma_start3A_169 = tpu.memref_slice %arg2[%dma_start3A_167, %dma_start3A_168] : memref<10000x128xf32, #tpu.memory_space<hbm>> -> memref<10000x128xf32, #tpu.memory_space<hbm>>
      tpu.enqueue_indirect_dma source(%dma_start3A_169 : memref<10000x128xf32, #tpu.memory_space<hbm>>) target(%dma_start3A_165 : memref<128x128xf32, #tpu.memory_space<vmem>>) offsets(%dma_start3A_166 : memref<128xi32, #tpu.memory_space<vmem>>) semaphore(%arg15 : memref<!tpu.dma_semaphore, #tpu.memory_space<semaphore_mem>>)
      %dma_start3A_170 = arith.constant 0 : i32
      %dma_start3A_171 = arith.constant 0 : i32
      %dma_start3A_172 = tpu.memref_slice %arg4[%add3A, %add3A_143, %dma_start3A_170, %dma_start3A_171] : memref<32x78x1x128xi32, #tpu.memory_space<hbm>> -> memref<1x1x1x128xi32, #tpu.memory_space<hbm>>
      %dma_start3A_173 = tpu.memref_squeeze %dma_start3A_172 : memref<1x1x1x128xi32, #tpu.memory_space<hbm>> -> memref<1x128xi32, #tpu.memory_space<hbm>>
      %dma_start3A_174 = arith.constant 0 : i32
      %dma_start3A_175 = arith.constant 0 : i32
      %dma_start3A_176 = tpu.memref_slice %arg4[%add3A, %add3A_143, %dma_start3A_174, %dma_start3A_175] : memref<32x78x1x128xi32, #tpu.memory_space<hbm>> -> memref<1x1x1x128xi32, #tpu.memory_space<hbm>>
      %dma_start3A_177 = tpu.memref_squeeze %dma_start3A_176 : memref<1x1x1x128xi32, #tpu.memory_space<hbm>> -> memref<1x128xi32, #tpu.memory_space<hbm>>
      tpu.enqueue_dma source(%dma_start3A_177 : memref<1x128xi32, #tpu.memory_space<hbm>>) target(%arg9 : memref<1x128xi32, #tpu.memory_space<vmem>>) target_semaphore(%arg19 : memref<!tpu.dma_semaphore, #tpu.memory_space<semaphore_mem>>)
      %dma_wait3A_178 = arith.constant 0 : i32
      %dma_wait3A_179 = arith.constant 0 : i32
      %dma_wait3A_180 = tpu.memref_slice %arg4[%add3A, %mul3A_141, %dma_wait3A_178, %dma_wait3A_179] : memref<32x78x1x128xi32, #tpu.memory_space<hbm>> -> memref<1x1x1x128xi32, #tpu.memory_space<hbm>>
      %dma_wait3A_181 = tpu.memref_squeeze %dma_wait3A_180 : memref<1x1x1x128xi32, #tpu.memory_space<hbm>> -> memref<1x128xi32, #tpu.memory_space<hbm>>
      %dma_wait3A_182 = arith.constant 0 : i32
      %dma_wait3A_183 = arith.constant 0 : i32
      %dma_wait3A_184 = tpu.memref_slice %arg4[%add3A, %mul3A_141, %dma_wait3A_182, %dma_wait3A_183] : memref<32x78x1x128xi32, #tpu.memory_space<hbm>> -> memref<1x1x1x128xi32, #tpu.memory_space<hbm>>
      %dma_wait3A_185 = tpu.memref_squeeze %dma_wait3A_184 : memref<1x1x1x128xi32, #tpu.memory_space<hbm>> -> memref<1x128xi32, #tpu.memory_space<hbm>>
      tpu.wait_dma2 semaphore(%arg18 : memref<!tpu.dma_semaphore, #tpu.memory_space<semaphore_mem>>) src(%dma_wait3A_185 : memref<1x128xi32, #tpu.memory_space<hbm>>) dst(%arg8 : memref<1x128xi32, #tpu.memory_space<vmem>>)
      %dma_start3A_186 = arith.constant 0 : i32
      %dma_start3A_187 = arith.constant 0 : i32
      %dma_start3A_188 = arith.constant 0 : i32
      %dma_start3A_189 = arith.constant 0 : i32
      %dma_start3A_190 = tpu.memref_slice %arg11[%dma_start3A_186, %dma_start3A_188, %dma_start3A_189] : memref<2x128x128xf32, #tpu.memory_space<vmem>> -> memref<1x128x128xf32, #tpu.memory_space<vmem>>
      %dma_start3A_191 = tpu.memref_squeeze %dma_start3A_190 : memref<1x128x128xf32, #tpu.memory_space<vmem>> -> memref<128x128xf32, #tpu.memory_space<vmem>>
      %dma_start3A_192 = arith.constant 0 : i32
      %dma_start3A_193 = tpu.memref_slice %arg8[%dma_start3A_187, %dma_start3A_192] : memref<1x128xi32, #tpu.memory_space<vmem>> -> memref<1x128xi32, #tpu.memory_space<vmem>>
      %dma_start3A_194 = tpu.memref_squeeze %dma_start3A_193 : memref<1x128xi32, #tpu.memory_space<vmem>> -> memref<128xi32, #tpu.memory_space<vmem>>
      %dma_start3A_195 = arith.constant 0 : i32
      %dma_start3A_196 = arith.constant 0 : i32
      %dma_start3A_197 = tpu.memref_slice %arg12[%dma_start3A_195, %dma_start3A_196] : memref<10000x128xf32, #tpu.memory_space<vmem_shared>> -> memref<10000x128xf32, #tpu.memory_space<vmem_shared>>
      tpu.enqueue_indirect_dma source(%dma_start3A_191 : memref<128x128xf32, #tpu.memory_space<vmem>>) target(%dma_start3A_197 : memref<10000x128xf32, #tpu.memory_space<vmem_shared>>) offsets(%dma_start3A_194 : memref<128xi32, #tpu.memory_space<vmem>>) semaphore(%arg16 : memref<!tpu.dma_semaphore, #tpu.memory_space<semaphore_mem>>) {add = true}
      %mul3A_198 = arith.constant 128 : i32
      %mul3A_199 = arith.muli %add3A_143, %mul3A_198 : i32
      %dma_wait3A_200 = arith.constant 1 : i32
      %dma_wait3A_201 = arith.constant 0 : i32
      %dma_wait3A_202 = arith.constant 0 : i32
      %dma_wait3A_203 = tpu.memref_slice %arg11[%dma_wait3A_200, %dma_wait3A_201, %dma_wait3A_202] : memref<2x128x128xf32, #tpu.memory_space<vmem>> -> memref<1x128x128xf32, #tpu.memory_space<vmem>>
      %dma_wait3A_204 = tpu.memref_squeeze %dma_wait3A_203 : memref<1x128x128xf32, #tpu.memory_space<vmem>> -> memref<128x128xf32, #tpu.memory_space<vmem>>
      %dma_wait3A_205 = tpu.memref_slice %arg7[%mul3A_199] : memref<10000xi32, #tpu.memory_space<vmem>> -> memref<128xi32, #tpu.memory_space<vmem>>
      %dma_wait3A_206 = arith.constant 0 : i32
      %dma_wait3A_207 = arith.constant 0 : i32
      %dma_wait3A_208 = tpu.memref_slice %arg2[%dma_wait3A_206, %dma_wait3A_207] : memref<10000x128xf32, #tpu.memory_space<hbm>> -> memref<10000x128xf32, #tpu.memory_space<hbm>>
      tpu.wait_indirect_dma semaphore(%arg15 : memref<!tpu.dma_semaphore, #tpu.memory_space<semaphore_mem>>) src(%dma_wait3A_208 : memref<10000x128xf32, #tpu.memory_space<hbm>>) dst(%dma_wait3A_204 : memref<128x128xf32, #tpu.memory_space<vmem>>)
      %dma_wait3A_209 = arith.constant 0 : i32
      %dma_wait3A_210 = arith.constant 0 : i32
      %dma_wait3A_211 = arith.constant 0 : i32
      %dma_wait3A_212 = arith.constant 0 : i32
      %dma_wait3A_213 = tpu.memref_slice %arg11[%dma_wait3A_209, %dma_wait3A_211, %dma_wait3A_212] : memref<2x128x128xf32, #tpu.memory_space<vmem>> -> memref<1x128x128xf32, #tpu.memory_space<vmem>>
      %dma_wait3A_214 = tpu.memref_squeeze %dma_wait3A_213 : memref<1x128x128xf32, #tpu.memory_space<vmem>> -> memref<128x128xf32, #tpu.memory_space<vmem>>
      %dma_wait3A_215 = arith.constant 0 : i32
      %dma_wait3A_216 = tpu.memref_slice %arg8[%dma_wait3A_210, %dma_wait3A_215] : memref<1x128xi32, #tpu.memory_space<vmem>> -> memref<1x128xi32, #tpu.memory_space<vmem>>
      %dma_wait3A_217 = tpu.memref_squeeze %dma_wait3A_216 : memref<1x128xi32, #tpu.memory_space<vmem>> -> memref<128xi32, #tpu.memory_space<vmem>>
      %dma_wait3A_218 = arith.constant 0 : i32
      %dma_wait3A_219 = arith.constant 0 : i32
      %dma_wait3A_220 = tpu.memref_slice %arg12[%dma_wait3A_218, %dma_wait3A_219] : memref<10000x128xf32, #tpu.memory_space<vmem_shared>> -> memref<10000x128xf32, #tpu.memory_space<vmem_shared>>
      tpu.wait_indirect_dma semaphore(%arg16 : memref<!tpu.dma_semaphore, #tpu.memory_space<semaphore_mem>>) src(%dma_wait3A_214 : memref<128x128xf32, #tpu.memory_space<vmem>>) dst(%dma_wait3A_220 : memref<10000x128xf32, #tpu.memory_space<vmem_shared>>)
      %add3A_221 = arith.constant 2 : i32
      %add3A_222 = arith.addi %mul3A_141, %add3A_221 : i32
      %lt3A = arith.constant 78 : i32
      %lt3A_223 = arith.cmpi slt, %add3A_222, %lt3A : i32
      %convert_element_type3A_224 = arith.extui %lt3A_223 : i1 to i32
      %cond3A_225 = arith.constant 0 : i32
      %cond3A_226 = arith.cmpi ne, %convert_element_type3A_224, %cond3A_225 : i32
      scf.if %cond3A_226 {
        %add3A_248 = arith.constant 2 : i32
        %add3A_249 = arith.addi %mul3A_141, %add3A_248 : i32
        %dma_start3A_250 = arith.constant 0 : i32
        %dma_start3A_251 = arith.constant 0 : i32
        %dma_start3A_252 = tpu.memref_slice %arg4[%add3A, %add3A_249, %dma_start3A_250, %dma_start3A_251] : memref<32x78x1x128xi32, #tpu.memory_space<hbm>> -> memref<1x1x1x128xi32, #tpu.memory_space<hbm>>
        %dma_start3A_253 = tpu.memref_squeeze %dma_start3A_252 : memref<1x1x1x128xi32, #tpu.memory_space<hbm>> -> memref<1x128xi32, #tpu.memory_space<hbm>>
        %dma_start3A_254 = arith.constant 0 : i32
        %dma_start3A_255 = arith.constant 0 : i32
        %dma_start3A_256 = tpu.memref_slice %arg4[%add3A, %add3A_249, %dma_start3A_254, %dma_start3A_255] : memref<32x78x1x128xi32, #tpu.memory_space<hbm>> -> memref<1x1x1x128xi32, #tpu.memory_space<hbm>>
        %dma_start3A_257 = tpu.memref_squeeze %dma_start3A_256 : memref<1x1x1x128xi32, #tpu.memory_space<hbm>> -> memref<1x128xi32, #tpu.memory_space<hbm>>
        tpu.enqueue_dma source(%dma_start3A_257 : memref<1x128xi32, #tpu.memory_space<hbm>>) target(%arg8 : memref<1x128xi32, #tpu.memory_space<vmem>>) target_semaphore(%arg18 : memref<!tpu.dma_semaphore, #tpu.memory_space<semaphore_mem>>)
        %add3A_258 = arith.constant 2 : i32
        %add3A_259 = arith.addi %mul3A_141, %add3A_258 : i32
        %mul3A_260 = arith.constant 128 : i32
        %mul3A_261 = arith.muli %add3A_259, %mul3A_260 : i32
        %dma_start3A_262 = arith.constant 0 : i32
        %dma_start3A_263 = arith.constant 0 : i32
        %dma_start3A_264 = arith.constant 0 : i32
        %dma_start3A_265 = tpu.memref_slice %arg11[%dma_start3A_262, %dma_start3A_263, %dma_start3A_264] : memref<2x128x128xf32, #tpu.memory_space<vmem>> -> memref<1x128x128xf32, #tpu.memory_space<vmem>>
        %dma_start3A_266 = tpu.memref_squeeze %dma_start3A_265 : memref<1x128x128xf32, #tpu.memory_space<vmem>> -> memref<128x128xf32, #tpu.memory_space<vmem>>
        %dma_start3A_267 = tpu.memref_slice %arg7[%mul3A_261] : memref<10000xi32, #tpu.memory_space<vmem>> -> memref<128xi32, #tpu.memory_space<vmem>>
        %dma_start3A_268 = arith.constant 0 : i32
        %dma_start3A_269 = arith.constant 0 : i32
        %dma_start3A_270 = tpu.memref_slice %arg2[%dma_start3A_268, %dma_start3A_269] : memref<10000x128xf32, #tpu.memory_space<hbm>> -> memref<10000x128xf32, #tpu.memory_space<hbm>>
        tpu.enqueue_indirect_dma source(%dma_start3A_270 : memref<10000x128xf32, #tpu.memory_space<hbm>>) target(%dma_start3A_266 : memref<128x128xf32, #tpu.memory_space<vmem>>) offsets(%dma_start3A_267 : memref<128xi32, #tpu.memory_space<vmem>>) semaphore(%arg14 : memref<!tpu.dma_semaphore, #tpu.memory_space<semaphore_mem>>)
      } else {
      }
      %dma_wait3A_227 = arith.constant 0 : i32
      %dma_wait3A_228 = arith.constant 0 : i32
      %dma_wait3A_229 = tpu.memref_slice %arg4[%add3A, %add3A_143, %dma_wait3A_227, %dma_wait3A_228] : memref<32x78x1x128xi32, #tpu.memory_space<hbm>> -> memref<1x1x1x128xi32, #tpu.memory_space<hbm>>
      %dma_wait3A_230 = tpu.memref_squeeze %dma_wait3A_229 : memref<1x1x1x128xi32, #tpu.memory_space<hbm>> -> memref<1x128xi32, #tpu.memory_space<hbm>>
      %dma_wait3A_231 = arith.constant 0 : i32
      %dma_wait3A_232 = arith.constant 0 : i32
      %dma_wait3A_233 = tpu.memref_slice %arg4[%add3A, %add3A_143, %dma_wait3A_231, %dma_wait3A_232] : memref<32x78x1x128xi32, #tpu.memory_space<hbm>> -> memref<1x1x1x128xi32, #tpu.memory_space<hbm>>
      %dma_wait3A_234 = tpu.memref_squeeze %dma_wait3A_233 : memref<1x1x1x128xi32, #tpu.memory_space<hbm>> -> memref<1x128xi32, #tpu.memory_space<hbm>>
      tpu.wait_dma2 semaphore(%arg19 : memref<!tpu.dma_semaphore, #tpu.memory_space<semaphore_mem>>) src(%dma_wait3A_234 : memref<1x128xi32, #tpu.memory_space<hbm>>) dst(%arg9 : memref<1x128xi32, #tpu.memory_space<vmem>>)
      %dma_start3A_235 = arith.constant 1 : i32
      %dma_start3A_236 = arith.constant 0 : i32
      %dma_start3A_237 = arith.constant 0 : i32
      %dma_start3A_238 = arith.constant 0 : i32
      %dma_start3A_239 = tpu.memref_slice %arg11[%dma_start3A_235, %dma_start3A_237, %dma_start3A_238] : memref<2x128x128xf32, #tpu.memory_space<vmem>> -> memref<1x128x128xf32, #tpu.memory_space<vmem>>
      %dma_start3A_240 = tpu.memref_squeeze %dma_start3A_239 : memref<1x128x128xf32, #tpu.memory_space<vmem>> -> memref<128x128xf32, #tpu.memory_space<vmem>>
      %dma_start3A_241 = arith.constant 0 : i32
      %dma_start3A_242 = tpu.memref_slice %arg9[%dma_start3A_236, %dma_start3A_241] : memref<1x128xi32, #tpu.memory_space<vmem>> -> memref<1x128xi32, #tpu.memory_space<vmem>>
      %dma_start3A_243 = tpu.memref_squeeze %dma_start3A_242 : memref<1x128xi32, #tpu.memory_space<vmem>> -> memref<128xi32, #tpu.memory_space<vmem>>
      %dma_start3A_244 = arith.constant 0 : i32
      %dma_start3A_245 = arith.constant 0 : i32
      %dma_start3A_246 = tpu.memref_slice %arg12[%dma_start3A_244, %dma_start3A_245] : memref<10000x128xf32, #tpu.memory_space<vmem_shared>> -> memref<10000x128xf32, #tpu.memory_space<vmem_shared>>
      tpu.enqueue_indirect_dma source(%dma_start3A_240 : memref<128x128xf32, #tpu.memory_space<vmem>>) target(%dma_start3A_246 : memref<10000x128xf32, #tpu.memory_space<vmem_shared>>) offsets(%dma_start3A_243 : memref<128xi32, #tpu.memory_space<vmem>>) semaphore(%arg17 : memref<!tpu.dma_semaphore, #tpu.memory_space<semaphore_mem>>) {add = true}
      %scan3A_247 = arith.constant 0 : i32
      scf.yield %scan3A_247 : i32
    }
    %scan3A_75 = arith.constant 39 : i32
    %multiple_of3A_76 = arith.constant 9984 : i32
    %multiple_of3A_77 = tpu.assume_multiple %multiple_of3A_76, 8 : i32
    %dma_start3A_78 = arith.constant 0 : i32
    %dma_start3A_79 = arith.constant 0 : i32
    %dma_start3A_80 = arith.constant 0 : i32
    %dma_start3A_81 = tpu.memref_slice %arg11[%dma_start3A_78, %dma_start3A_79, %dma_start3A_80] : memref<2x128x128xf32, #tpu.memory_space<vmem>> -> memref<1x16x128xf32, #tpu.memory_space<vmem>>
    %dma_start3A_82 = tpu.memref_squeeze %dma_start3A_81 : memref<1x16x128xf32, #tpu.memory_space<vmem>> -> memref<16x128xf32, #tpu.memory_space<vmem>>
    %dma_start3A_83 = tpu.memref_slice %arg7[%multiple_of3A_77] : memref<10000xi32, #tpu.memory_space<vmem>> -> memref<16xi32, #tpu.memory_space<vmem>>
    %dma_start3A_84 = arith.constant 0 : i32
    %dma_start3A_85 = arith.constant 0 : i32
    %dma_start3A_86 = tpu.memref_slice %arg2[%dma_start3A_84, %dma_start3A_85] : memref<10000x128xf32, #tpu.memory_space<hbm>> -> memref<10000x128xf32, #tpu.memory_space<hbm>>
    tpu.enqueue_indirect_dma source(%dma_start3A_86 : memref<10000x128xf32, #tpu.memory_space<hbm>>) target(%dma_start3A_82 : memref<16x128xf32, #tpu.memory_space<vmem>>) offsets(%dma_start3A_83 : memref<16xi32, #tpu.memory_space<vmem>>) semaphore(%arg14 : memref<!tpu.dma_semaphore, #tpu.memory_space<semaphore_mem>>)
    %dma_wait3A_87 = arith.constant 0 : i32
    %dma_wait3A_88 = arith.constant 0 : i32
    %dma_wait3A_89 = arith.constant 0 : i32
    %dma_wait3A_90 = tpu.memref_slice %arg11[%dma_wait3A_87, %dma_wait3A_88, %dma_wait3A_89] : memref<2x128x128xf32, #tpu.memory_space<vmem>> -> memref<1x16x128xf32, #tpu.memory_space<vmem>>
    %dma_wait3A_91 = tpu.memref_squeeze %dma_wait3A_90 : memref<1x16x128xf32, #tpu.memory_space<vmem>> -> memref<16x128xf32, #tpu.memory_space<vmem>>
    %dma_wait3A_92 = tpu.memref_slice %arg7[%multiple_of3A_77] : memref<10000xi32, #tpu.memory_space<vmem>> -> memref<16xi32, #tpu.memory_space<vmem>>
    %dma_wait3A_93 = arith.constant 0 : i32
    %dma_wait3A_94 = arith.constant 0 : i32
    %dma_wait3A_95 = tpu.memref_slice %arg2[%dma_wait3A_93, %dma_wait3A_94] : memref<10000x128xf32, #tpu.memory_space<hbm>> -> memref<10000x128xf32, #tpu.memory_space<hbm>>
    tpu.wait_indirect_dma semaphore(%arg14 : memref<!tpu.dma_semaphore, #tpu.memory_space<semaphore_mem>>) src(%dma_wait3A_95 : memref<10000x128xf32, #tpu.memory_space<hbm>>) dst(%dma_wait3A_91 : memref<16x128xf32, #tpu.memory_space<vmem>>)
    %dma_start3A_96 = arith.constant 0 : i32
    %dma_start3A_97 = arith.constant 0 : i32
    %dma_start3A_98 = arith.constant 0 : i32
    %dma_start3A_99 = arith.constant 0 : i32
    %dma_start3A_100 = tpu.memref_slice %arg11[%dma_start3A_96, %dma_start3A_98, %dma_start3A_99] : memref<2x128x128xf32, #tpu.memory_space<vmem>> -> memref<1x16x128xf32, #tpu.memory_space<vmem>>
    %dma_start3A_101 = tpu.memref_squeeze %dma_start3A_100 : memref<1x16x128xf32, #tpu.memory_space<vmem>> -> memref<16x128xf32, #tpu.memory_space<vmem>>
    %dma_start3A_102 = arith.constant 0 : i32
    %dma_start3A_103 = tpu.memref_slice %arg10[%dma_start3A_97, %dma_start3A_102] : memref<1x16xi32, #tpu.memory_space<vmem>> -> memref<1x16xi32, #tpu.memory_space<vmem>>
    %dma_start3A_104 = tpu.memref_squeeze %dma_start3A_103 : memref<1x16xi32, #tpu.memory_space<vmem>> -> memref<16xi32, #tpu.memory_space<vmem>>
    %dma_start3A_105 = arith.constant 0 : i32
    %dma_start3A_106 = arith.constant 0 : i32
    %dma_start3A_107 = tpu.memref_slice %arg12[%dma_start3A_105, %dma_start3A_106] : memref<10000x128xf32, #tpu.memory_space<vmem_shared>> -> memref<10000x128xf32, #tpu.memory_space<vmem_shared>>
    tpu.enqueue_indirect_dma source(%dma_start3A_101 : memref<16x128xf32, #tpu.memory_space<vmem>>) target(%dma_start3A_107 : memref<10000x128xf32, #tpu.memory_space<vmem_shared>>) offsets(%dma_start3A_104 : memref<16xi32, #tpu.memory_space<vmem>>) semaphore(%arg16 : memref<!tpu.dma_semaphore, #tpu.memory_space<semaphore_mem>>) {add = true}
    %dma_wait3A_108 = arith.constant 0 : i32
    %dma_wait3A_109 = arith.constant 0 : i32
    %dma_wait3A_110 = arith.constant 0 : i32
    %dma_wait3A_111 = arith.constant 0 : i32
    %dma_wait3A_112 = tpu.memref_slice %arg11[%dma_wait3A_108, %dma_wait3A_110, %dma_wait3A_111] : memref<2x128x128xf32, #tpu.memory_space<vmem>> -> memref<1x16x128xf32, #tpu.memory_space<vmem>>
    %dma_wait3A_113 = tpu.memref_squeeze %dma_wait3A_112 : memref<1x16x128xf32, #tpu.memory_space<vmem>> -> memref<16x128xf32, #tpu.memory_space<vmem>>
    %dma_wait3A_114 = arith.constant 0 : i32
    %dma_wait3A_115 = tpu.memref_slice %arg10[%dma_wait3A_109, %dma_wait3A_114] : memref<1x16xi32, #tpu.memory_space<vmem>> -> memref<1x16xi32, #tpu.memory_space<vmem>>
    %dma_wait3A_116 = tpu.memref_squeeze %dma_wait3A_115 : memref<1x16xi32, #tpu.memory_space<vmem>> -> memref<16xi32, #tpu.memory_space<vmem>>
    %dma_wait3A_117 = arith.constant 0 : i32
    %dma_wait3A_118 = arith.constant 0 : i32
    %dma_wait3A_119 = tpu.memref_slice %arg12[%dma_wait3A_117, %dma_wait3A_118] : memref<10000x128xf32, #tpu.memory_space<vmem_shared>> -> memref<10000x128xf32, #tpu.memory_space<vmem_shared>>
    tpu.wait_indirect_dma semaphore(%arg16 : memref<!tpu.dma_semaphore, #tpu.memory_space<semaphore_mem>>) src(%dma_wait3A_113 : memref<16x128xf32, #tpu.memory_space<vmem>>) dst(%dma_wait3A_119 : memref<10000x128xf32, #tpu.memory_space<vmem_shared>>)
    %dma_wait3A_120 = arith.constant 1 : i32
    %dma_wait3A_121 = arith.constant 0 : i32
    %dma_wait3A_122 = arith.constant 0 : i32
    %dma_wait3A_123 = arith.constant 0 : i32
    %dma_wait3A_124 = tpu.memref_slice %arg11[%dma_wait3A_120, %dma_wait3A_122, %dma_wait3A_123] : memref<2x128x128xf32, #tpu.memory_space<vmem>> -> memref<1x128x128xf32, #tpu.memory_space<vmem>>
    %dma_wait3A_125 = tpu.memref_squeeze %dma_wait3A_124 : memref<1x128x128xf32, #tpu.memory_space<vmem>> -> memref<128x128xf32, #tpu.memory_space<vmem>>
    %dma_wait3A_126 = arith.constant 0 : i32
    %dma_wait3A_127 = tpu.memref_slice %arg9[%dma_wait3A_121, %dma_wait3A_126] : memref<1x128xi32, #tpu.memory_space<vmem>> -> memref<1x128xi32, #tpu.memory_space<vmem>>
    %dma_wait3A_128 = tpu.memref_squeeze %dma_wait3A_127 : memref<1x128xi32, #tpu.memory_space<vmem>> -> memref<128xi32, #tpu.memory_space<vmem>>
    %dma_wait3A_129 = arith.constant 0 : i32
    %dma_wait3A_130 = arith.constant 0 : i32
    %dma_wait3A_131 = tpu.memref_slice %arg12[%dma_wait3A_129, %dma_wait3A_130] : memref<10000x128xf32, #tpu.memory_space<vmem_shared>> -> memref<10000x128xf32, #tpu.memory_space<vmem_shared>>
    tpu.wait_indirect_dma semaphore(%arg17 : memref<!tpu.dma_semaphore, #tpu.memory_space<semaphore_mem>>) src(%dma_wait3A_125 : memref<128x128xf32, #tpu.memory_space<vmem>>) dst(%dma_wait3A_131 : memref<10000x128xf32, #tpu.memory_space<vmem_shared>>)
    %barrier3A_132 = arith.constant 0 : index
    tpu.barrier barrier_id(%barrier3A_132)
    "tpu.region"() ({
      %run_scoped3A = tpu.sem_alloc : memref<!tpu.dma_semaphore, #tpu.memory_space<semaphore_mem>>
      %dma_start3A_138 = arith.constant 0 : i32
      %dma_start3A_139 = tpu.memref_slice %arg6[%arg0, %mul3A_28, %dma_start3A_138] : memref<2x10000x128xf32, #tpu.memory_space<hbm>> -> memref<1x624x128xf32, #tpu.memory_space<hbm>>
      %dma_start3A_140 = tpu.memref_squeeze %dma_start3A_139 : memref<1x624x128xf32, #tpu.memory_space<hbm>> -> memref<624x128xf32, #tpu.memory_space<hbm>>
      %dma_start3A_141 = arith.constant 0 : i32
      %dma_start3A_142 = tpu.memref_slice %arg12[%mul3A_28, %dma_start3A_141] : memref<10000x128xf32, #tpu.memory_space<vmem_shared>> -> memref<624x128xf32, #tpu.memory_space<vmem_shared>>
      tpu.enqueue_dma source(%dma_start3A_142 : memref<624x128xf32, #tpu.memory_space<vmem_shared>>) target(%dma_start3A_140 : memref<624x128xf32, #tpu.memory_space<hbm>>) target_semaphore(%run_scoped3A : memref<!tpu.dma_semaphore, #tpu.memory_space<semaphore_mem>>)
      %dma_wait3A_143 = arith.constant 0 : i32
      %dma_wait3A_144 = tpu.memref_slice %arg6[%arg0, %mul3A_28, %dma_wait3A_143] : memref<2x10000x128xf32, #tpu.memory_space<hbm>> -> memref<1x624x128xf32, #tpu.memory_space<hbm>>
      %dma_wait3A_145 = tpu.memref_squeeze %dma_wait3A_144 : memref<1x624x128xf32, #tpu.memory_space<hbm>> -> memref<624x128xf32, #tpu.memory_space<hbm>>
      %dma_wait3A_146 = arith.constant 0 : i32
      %dma_wait3A_147 = tpu.memref_slice %arg12[%mul3A_28, %dma_wait3A_146] : memref<10000x128xf32, #tpu.memory_space<vmem_shared>> -> memref<624x128xf32, #tpu.memory_space<vmem_shared>>
      tpu.wait_dma2 semaphore(%run_scoped3A : memref<!tpu.dma_semaphore, #tpu.memory_space<semaphore_mem>>) src(%dma_wait3A_147 : memref<624x128xf32, #tpu.memory_space<vmem_shared>>) dst(%dma_wait3A_145 : memref<624x128xf32, #tpu.memory_space<hbm>>)
      tpu.yield
    }) : () -> ()
    %eq3A_133 = arith.constant 15 : i32
    %eq3A_134 = arith.cmpi eq, %arg1, %eq3A_133 : i32
    %convert_element_type3A_135 = arith.extui %eq3A_134 : i1 to i32
    %cond3A_136 = arith.constant 0 : i32
    %cond3A_137 = arith.cmpi ne, %convert_element_type3A_135, %cond3A_136 : i32
    scf.if %cond3A_137 {
      "tpu.region"() ({
        %run_scoped3A = tpu.sem_alloc : memref<!tpu.dma_semaphore, #tpu.memory_space<semaphore_mem>>
        %dma_start3A_138 = arith.constant 9984 : i32
        %dma_start3A_139 = arith.constant 0 : i32
        %dma_start3A_140 = tpu.memref_slice %arg6[%arg0, %dma_start3A_138, %dma_start3A_139] : memref<2x10000x128xf32, #tpu.memory_space<hbm>> -> memref<1x16x128xf32, #tpu.memory_space<hbm>>
        %dma_start3A_141 = tpu.memref_squeeze %dma_start3A_140 : memref<1x16x128xf32, #tpu.memory_space<hbm>> -> memref<16x128xf32, #tpu.memory_space<hbm>>
        %dma_start3A_142 = arith.constant 9984 : i32
        %dma_start3A_143 = arith.constant 0 : i32
        %dma_start3A_144 = tpu.memref_slice %arg12[%dma_start3A_142, %dma_start3A_143] : memref<10000x128xf32, #tpu.memory_space<vmem_shared>> -> memref<16x128xf32, #tpu.memory_space<vmem_shared>>
        tpu.enqueue_dma source(%dma_start3A_144 : memref<16x128xf32, #tpu.memory_space<vmem_shared>>) target(%dma_start3A_141 : memref<16x128xf32, #tpu.memory_space<hbm>>) target_semaphore(%run_scoped3A : memref<!tpu.dma_semaphore, #tpu.memory_space<semaphore_mem>>)
        %dma_wait3A_145 = arith.constant 9984 : i32
        %dma_wait3A_146 = arith.constant 0 : i32
        %dma_wait3A_147 = tpu.memref_slice %arg6[%arg0, %dma_wait3A_145, %dma_wait3A_146] : memref<2x10000x128xf32, #tpu.memory_space<hbm>> -> memref<1x16x128xf32, #tpu.memory_space<hbm>>
        %dma_wait3A_148 = tpu.memref_squeeze %dma_wait3A_147 : memref<1x16x128xf32, #tpu.memory_space<hbm>> -> memref<16x128xf32, #tpu.memory_space<hbm>>
        %dma_wait3A_149 = arith.constant 9984 : i32
        %dma_wait3A_150 = arith.constant 0 : i32
        %dma_wait3A_151 = tpu.memref_slice %arg12[%dma_wait3A_149, %dma_wait3A_150] : memref<10000x128xf32, #tpu.memory_space<vmem_shared>> -> memref<16x128xf32, #tpu.memory_space<vmem_shared>>
        tpu.wait_dma2 semaphore(%run_scoped3A : memref<!tpu.dma_semaphore, #tpu.memory_space<semaphore_mem>>) src(%dma_wait3A_151 : memref<16x128xf32, #tpu.memory_space<vmem_shared>>) dst(%dma_wait3A_148 : memref<16x128xf32, #tpu.memory_space<hbm>>)
        tpu.yield
      }) : () -> ()
    } else {
    }
    return
  }
}

module attributes {stable_mosaic.version = 14 : i64} {
  func.func @_fused_body(%arg0: i32, %arg1: i32, %arg2: memref<2x1000x128xf32, #tpu.memory_space<vmem>>, %arg3: memref<1000x128xf32, #tpu.memory_space<vmem>>, %arg4: memref<128x128xf32, #tpu.memory_space<vmem>>, %arg5: memref<128x128xf32, #tpu.memory_space<vmem>>, %arg6: memref<1x128xf32, #tpu.memory_space<vmem>>, %arg7: memref<1x128xf32, #tpu.memory_space<vmem>>, %arg8: memref<1000x128xf32, #tpu.memory_space<vmem>>, %arg9: memref<10000x128xf32, #tpu.memory_space<vmem>>, %arg10: memref<2x128xf32, #tpu.memory_space<vmem>>) attributes {dimension_semantics = [#tpu.dimension_semantics<arbitrary>, #tpu.dimension_semantics<arbitrary>], iteration_bounds = array<i64: 2, 10>, scalar_prefetch = 0 : i64, scratch_operands = 2 : i64, tpu.core_type = #tpu.core_type<tc>, window_params = [{transform_indices = @transform_0, window_bounds = array<i64: 2, 1000, 128>}, {transform_indices = @transform_1, window_bounds = array<i64: 1000, 128>}, {pipeline_mode = #tpu.pipeline_mode<synchronous>, transform_indices = @transform_2, window_bounds = array<i64: 128, 128>}, {pipeline_mode = #tpu.pipeline_mode<synchronous>, transform_indices = @transform_3, window_bounds = array<i64: 128, 128>}, {pipeline_mode = #tpu.pipeline_mode<synchronous>, transform_indices = @transform_4, window_bounds = array<i64: 1, 128>}, {pipeline_mode = #tpu.pipeline_mode<synchronous>, transform_indices = @transform_5, window_bounds = array<i64: 1, 128>}, {transform_indices = @transform_6, window_bounds = array<i64: 1000, 128>}]} {
    %eq3A = arith.constant 0 : i32
    %eq3A_0 = arith.cmpi eq, %arg0, %eq3A : i32
    %convert_element_type3A = arith.extui %eq3A_0 : i1 to i32
    %cond3A = arith.constant 0 : i32
    %cond3A_1 = arith.cmpi ne, %convert_element_type3A, %cond3A : i32
    scf.if %cond3A_1 {
      %get3A = arith.constant 0 : index
      %get3A_7 = arith.constant 0 : index
      %get3A_8 = arith.constant 0 : index
      %get3A_9 = vector.load %arg2[%get3A, %get3A_7, %get3A_8] : memref<2x1000x128xf32, #tpu.memory_space<vmem>>, vector<1x1000x128xf32>
      %get3A_10 = vector.shape_cast %get3A_9 : vector<1x1000x128xf32> to vector<1000x128xf32>
      %get3A_11 = arith.constant 1 : index
      %get3A_12 = arith.constant 0 : index
      %get3A_13 = arith.constant 0 : index
      %get3A_14 = vector.load %arg2[%get3A_11, %get3A_12, %get3A_13] : memref<2x1000x128xf32, #tpu.memory_space<vmem>>, vector<1x1000x128xf32>
      %get3A_15 = vector.shape_cast %get3A_14 : vector<1x1000x128xf32> to vector<1000x128xf32>
      %add3A = arith.addf %get3A_10, %get3A_15 : vector<1000x128xf32>
      %get3A_16 = arith.constant 0 : index
      %get3A_17 = arith.constant 0 : index
      %get3A_18 = vector.load %arg4[%get3A_16, %get3A_17] : memref<128x128xf32, #tpu.memory_space<vmem>>, vector<128x128xf32>
      %dot_general3A = arith.constant dense<0.000000e+00> : vector<1000x128xf32>
      %dot_general3A_19 = tpu.matmul %add3A, %get3A_18, %dot_general3A {dimension_numbers = #tpu.dot_dimension_numbers<[1], [0], [0], [1], [0, 0, 1, 1], [], []>, transpose_lhs_hint = false} : vector<1000x128xf32>, vector<128x128xf32>, vector<1000x128xf32> -> vector<1000x128xf32>
      %max3A = arith.constant 0.000000e+00 : f32
      %max3A_20 = vector.broadcast %max3A : f32 to vector<1000x128xf32>
      %max3A_21 = arith.maximumf %dot_general3A_19, %max3A_20 : vector<1000x128xf32>
      %get3A_22 = arith.constant 0 : index
      %get3A_23 = arith.constant 0 : index
      %get3A_24 = vector.load %arg3[%get3A_22, %get3A_23] : memref<1000x128xf32, #tpu.memory_space<vmem>>, vector<1000x128xf32>
      %get3A_25 = arith.constant 0 : index
      %get3A_26 = arith.constant 0 : index
      %get3A_27 = vector.load %arg5[%get3A_25, %get3A_26] : memref<128x128xf32, #tpu.memory_space<vmem>>, vector<128x128xf32>
      %dot_general3A_28 = arith.constant dense<0.000000e+00> : vector<1000x128xf32>
      %dot_general3A_29 = tpu.matmul %get3A_24, %get3A_27, %dot_general3A_28 {dimension_numbers = #tpu.dot_dimension_numbers<[1], [0], [0], [1], [0, 0, 1, 1], [], []>, transpose_lhs_hint = false} : vector<1000x128xf32>, vector<128x128xf32>, vector<1000x128xf32> -> vector<1000x128xf32>
      %max3A_30 = arith.constant 0.000000e+00 : f32
      %max3A_31 = vector.broadcast %max3A_30 : f32 to vector<1000x128xf32>
      %max3A_32 = arith.maximumf %dot_general3A_29, %max3A_31 : vector<1000x128xf32>
      %add3A_33 = arith.addf %max3A_21, %max3A_32 : vector<1000x128xf32>
      %mul3A = arith.constant 1000 : i32
      %mul3A_34 = arith.muli %arg1, %mul3A : i32
      %swap3A = arith.index_cast %mul3A_34 : i32 to index
      %swap3A_35 = arith.constant 0 : index
      %swap3A_36 = vector.load %arg9[%swap3A, %swap3A_35] : memref<10000x128xf32, #tpu.memory_space<vmem>>, vector<1000x128xf32>
      tpu.vector_store %arg9[%swap3A, %swap3A_35], %add3A_33 {strides = array<i32>} : memref<10000x128xf32, #tpu.memory_space<vmem>>, vector<1000x128xf32>,
      %eq3A_37 = arith.constant 0 : i32
      %eq3A_38 = arith.cmpi eq, %arg1, %eq3A_37 : i32
      %convert_element_type3A_39 = arith.extui %eq3A_38 : i1 to i32
      %cond3A_40 = arith.constant 0 : i32
      %cond3A_41 = arith.cmpi ne, %convert_element_type3A_39, %cond3A_40 : i32
      scf.if %cond3A_41 {
        %broadcast_in_dim3A_61 = arith.constant 0.000000e+00 : f32
        %broadcast_in_dim3A_62 = vector.broadcast %broadcast_in_dim3A_61 : f32 to vector<2x128xf32>
        %swap3A_63 = arith.constant 0 : index
        %swap3A_64 = arith.constant 0 : index
        %swap3A_65 = vector.load %arg10[%swap3A_63, %swap3A_64] : memref<2x128xf32, #tpu.memory_space<vmem>>, vector<2x128xf32>
        tpu.vector_store %arg10[%swap3A_63, %swap3A_64], %broadcast_in_dim3A_62 {strides = array<i32>} : memref<2x128xf32, #tpu.memory_space<vmem>>, vector<2x128xf32>,
      } else {
      }
      %get3A_42 = arith.constant 0 : index
      %get3A_43 = arith.constant 0 : index
      %get3A_44 = vector.load %arg10[%get3A_42, %get3A_43] : memref<2x128xf32, #tpu.memory_space<vmem>>, vector<1x128xf32>
      %reduce_sum3A = arith.constant dense<0.000000e+00> : vector<128xf32>
      %reduce_sum3A_45 = vector.multi_reduction <add>, %add3A_33, %reduce_sum3A [0] : vector<1000x128xf32> to vector<128xf32>
      %broadcast_in_dim3A = vector.shape_cast %reduce_sum3A_45 : vector<128xf32> to vector<1x128xf32>
      %add3A_46 = arith.addf %get3A_44, %broadcast_in_dim3A : vector<1x128xf32>
      %swap3A_47 = arith.constant 0 : index
      %swap3A_48 = arith.constant 0 : index
      %swap3A_49 = vector.load %arg10[%swap3A_47, %swap3A_48] : memref<2x128xf32, #tpu.memory_space<vmem>>, vector<1x128xf32>
      tpu.vector_store %arg10[%swap3A_47, %swap3A_48], %add3A_46 {strides = array<i32>} : memref<2x128xf32, #tpu.memory_space<vmem>>, vector<1x128xf32>,
      %get3A_50 = arith.constant 1 : index
      %get3A_51 = arith.constant 0 : index
      %get3A_52 = vector.load %arg10[%get3A_50, %get3A_51] : memref<2x128xf32, #tpu.memory_space<vmem>>, vector<1x128xf32>
      %mul3A_53 = arith.mulf %add3A_33, %add3A_33 : vector<1000x128xf32>
      %reduce_sum3A_54 = arith.constant dense<0.000000e+00> : vector<128xf32>
      %reduce_sum3A_55 = vector.multi_reduction <add>, %mul3A_53, %reduce_sum3A_54 [0] : vector<1000x128xf32> to vector<128xf32>
      %broadcast_in_dim3A_56 = vector.shape_cast %reduce_sum3A_55 : vector<128xf32> to vector<1x128xf32>
      %add3A_57 = arith.addf %get3A_52, %broadcast_in_dim3A_56 : vector<1x128xf32>
      %swap3A_58 = arith.constant 1 : index
      %swap3A_59 = arith.constant 0 : index
      %swap3A_60 = vector.load %arg10[%swap3A_58, %swap3A_59] : memref<2x128xf32, #tpu.memory_space<vmem>>, vector<1x128xf32>
      tpu.vector_store %arg10[%swap3A_58, %swap3A_59], %add3A_57 {strides = array<i32>} : memref<2x128xf32, #tpu.memory_space<vmem>>, vector<1x128xf32>,
    } else {
    }
    %eq3A_2 = arith.constant 1 : i32
    %eq3A_3 = arith.cmpi eq, %arg0, %eq3A_2 : i32
    %convert_element_type3A_4 = arith.extui %eq3A_3 : i1 to i32
    %cond3A_5 = arith.constant 0 : i32
    %cond3A_6 = arith.cmpi ne, %convert_element_type3A_4, %cond3A_5 : i32
    scf.if %cond3A_6 {
      %mul3A = arith.constant 1000 : i32
      %mul3A_7 = arith.muli %arg1, %mul3A : i32
      %get3A = arith.index_cast %mul3A_7 : i32 to index
      %get3A_8 = arith.constant 0 : index
      %get3A_9 = vector.load %arg9[%get3A, %get3A_8] : memref<10000x128xf32, #tpu.memory_space<vmem>>, vector<1000x128xf32>
      %get3A_10 = arith.constant 0 : index
      %get3A_11 = arith.constant 0 : index
      %get3A_12 = vector.load %arg10[%get3A_10, %get3A_11] : memref<2x128xf32, #tpu.memory_space<vmem>>, vector<1x128xf32>
      %mul3A_13 = arith.constant 9.99999974E-5 : f32
      %mul3A_14 = vector.broadcast %mul3A_13 : f32 to vector<1x128xf32>
      %mul3A_15 = arith.mulf %get3A_12, %mul3A_14 : vector<1x128xf32>
      %get3A_16 = arith.constant 1 : index
      %get3A_17 = arith.constant 0 : index
      %get3A_18 = vector.load %arg10[%get3A_16, %get3A_17] : memref<2x128xf32, #tpu.memory_space<vmem>>, vector<1x128xf32>
      %mul3A_19 = arith.constant 9.99999974E-5 : f32
      %mul3A_20 = vector.broadcast %mul3A_19 : f32 to vector<1x128xf32>
      %mul3A_21 = arith.mulf %get3A_18, %mul3A_20 : vector<1x128xf32>
      %mul3A_22 = arith.mulf %mul3A_15, %mul3A_15 : vector<1x128xf32>
      %sub3A = arith.subf %mul3A_21, %mul3A_22 : vector<1x128xf32>
      %add3A = arith.constant 9.99999974E-6 : f32
      %add3A_23 = vector.broadcast %add3A : f32 to vector<1x128xf32>
      %add3A_24 = arith.addf %sub3A, %add3A_23 : vector<1x128xf32>
      %rsqrt3A = math.rsqrt %add3A_24 : vector<1x128xf32>
      %sub3A_25 = vector.broadcast %mul3A_15 : vector<1x128xf32> to vector<1000x128xf32>
      %sub3A_26 = arith.subf %get3A_9, %sub3A_25 : vector<1000x128xf32>
      %get3A_27 = arith.constant 0 : index
      %get3A_28 = arith.constant 0 : index
      %get3A_29 = vector.load %arg6[%get3A_27, %get3A_28] : memref<1x128xf32, #tpu.memory_space<vmem>>, vector<1x128xf32>
      %mul3A_30 = arith.mulf %rsqrt3A, %get3A_29 : vector<1x128xf32>
      %mul3A_31 = vector.broadcast %mul3A_30 : vector<1x128xf32> to vector<1000x128xf32>
      %mul3A_32 = arith.mulf %sub3A_26, %mul3A_31 : vector<1000x128xf32>
      %get3A_33 = arith.constant 0 : index
      %get3A_34 = arith.constant 0 : index
      %get3A_35 = vector.load %arg7[%get3A_33, %get3A_34] : memref<1x128xf32, #tpu.memory_space<vmem>>, vector<1x128xf32>
      %add3A_36 = vector.broadcast %get3A_35 : vector<1x128xf32> to vector<1000x128xf32>
      %add3A_37 = arith.addf %mul3A_32, %add3A_36 : vector<1000x128xf32>
      %swap3A = arith.constant 0 : index
      %swap3A_38 = arith.constant 0 : index
      %swap3A_39 = vector.load %arg8[%swap3A, %swap3A_38] : memref<1000x128xf32, #tpu.memory_space<vmem>>, vector<1000x128xf32>
      tpu.vector_store %arg8[%swap3A, %swap3A_38], %add3A_37 {strides = array<i32>} : memref<1000x128xf32, #tpu.memory_space<vmem>>, vector<1000x128xf32>,
    } else {
    }
    return
  }
  func.func @transform_0(%arg0: i32, %arg1: i32) -> (i32, i32, i32) {
    %eq3A = arith.constant 0 : i32
    %eq3A_0 = arith.cmpi eq, %arg0, %eq3A : i32
    %jit3A = arith.constant 9 : i32
    %select_n3A = arith.select %eq3A_0, %arg1, %jit3A : i32
    %c0_i32 = arith.constant 0 : i32
    %c0_i32_1 = arith.constant 0 : i32
    %c0_i32_2 = arith.constant 0 : i32
    return %c0_i32, %select_n3A, %c0_i32_1 : i32, i32, i32
  }
  func.func @transform_1(%arg0: i32, %arg1: i32) -> (i32, i32) {
    %eq3A = arith.constant 0 : i32
    %eq3A_0 = arith.cmpi eq, %arg0, %eq3A : i32
    %jit3A = arith.constant 9 : i32
    %select_n3A = arith.select %eq3A_0, %arg1, %jit3A : i32
    %c0_i32 = arith.constant 0 : i32
    %c0_i32_1 = arith.constant 0 : i32
    return %select_n3A, %c0_i32 : i32, i32
  }
  func.func @transform_2(%arg0: i32, %arg1: i32) -> (i32, i32) {
    %c0_i32 = arith.constant 0 : i32
    %c0_i32_0 = arith.constant 0 : i32
    %c0_i32_1 = arith.constant 0 : i32
    return %c0_i32, %c0_i32_0 : i32, i32
  }
  func.func @transform_3(%arg0: i32, %arg1: i32) -> (i32, i32) {
    %c0_i32 = arith.constant 0 : i32
    %c0_i32_0 = arith.constant 0 : i32
    %c0_i32_1 = arith.constant 0 : i32
    return %c0_i32, %c0_i32_0 : i32, i32
  }
  func.func @transform_4(%arg0: i32, %arg1: i32) -> (i32, i32) {
    %c0_i32 = arith.constant 0 : i32
    %c0_i32_0 = arith.constant 0 : i32
    %c0_i32_1 = arith.constant 0 : i32
    return %c0_i32, %c0_i32_0 : i32, i32
  }
  func.func @transform_5(%arg0: i32, %arg1: i32) -> (i32, i32) {
    %c0_i32 = arith.constant 0 : i32
    %c0_i32_0 = arith.constant 0 : i32
    %c0_i32_1 = arith.constant 0 : i32
    return %c0_i32, %c0_i32_0 : i32, i32
  }
  func.func @transform_6(%arg0: i32, %arg1: i32) -> (i32, i32) {
    %eq3A = arith.constant 0 : i32
    %eq3A_0 = arith.cmpi eq, %arg0, %eq3A : i32
    %jit3A = arith.constant 0 : i32
    %select_n3A = arith.select %eq3A_0, %jit3A, %arg1 : i32
    %c0_i32 = arith.constant 0 : i32
    %c0_i32_1 = arith.constant 0 : i32
    return %select_n3A, %c0_i32 : i32, i32
  }
}

module attributes {stable_mosaic.version = 14 : i64} {
  func.func @_fused_body(%arg0: i32, %arg1: i32, %arg2: memref<2x1000x128xf32, #tpu.memory_space<vmem>>, %arg3: memref<1000x128xf32, #tpu.memory_space<vmem>>, %arg4: memref<128x128xf32, #tpu.memory_space<vmem>>, %arg5: memref<128x128xf32, #tpu.memory_space<vmem>>, %arg6: memref<1x128xf32, #tpu.memory_space<vmem>>, %arg7: memref<1x128xf32, #tpu.memory_space<vmem>>, %arg8: memref<1000x128xf32, #tpu.memory_space<vmem>>, %arg9: memref<10000x128xf32, #tpu.memory_space<vmem>>, %arg10: memref<2x128xf32, #tpu.memory_space<vmem>>) attributes {dimension_semantics = [#tpu.dimension_semantics<arbitrary>, #tpu.dimension_semantics<arbitrary>], iteration_bounds = array<i64: 2, 10>, scalar_prefetch = 0 : i64, scratch_operands = 2 : i64, tpu.core_type = #tpu.core_type<tc>, window_params = [{transform_indices = @transform_0, window_bounds = array<i64: 2, 1000, 128>}, {transform_indices = @transform_1, window_bounds = array<i64: 1000, 128>}, {pipeline_mode = #tpu.pipeline_mode<synchronous>, transform_indices = @transform_2, window_bounds = array<i64: 128, 128>}, {pipeline_mode = #tpu.pipeline_mode<synchronous>, transform_indices = @transform_3, window_bounds = array<i64: 128, 128>}, {pipeline_mode = #tpu.pipeline_mode<synchronous>, transform_indices = @transform_4, window_bounds = array<i64: 1, 128>}, {pipeline_mode = #tpu.pipeline_mode<synchronous>, transform_indices = @transform_5, window_bounds = array<i64: 1, 128>}, {transform_indices = @transform_6, window_bounds = array<i64: 1000, 128>}]} {
    %eq3A = arith.constant 0 : i32
    %eq3A_0 = arith.cmpi eq, %arg0, %eq3A : i32
    %convert_element_type3A = arith.extui %eq3A_0 : i1 to i32
    %cond3A = arith.constant 0 : i32
    %cond3A_1 = arith.cmpi ne, %convert_element_type3A, %cond3A : i32
    scf.if %cond3A_1 {
      %get3A = arith.constant 0 : index
      %get3A_7 = arith.constant 0 : index
      %get3A_8 = arith.constant 0 : index
      %get3A_9 = vector.load %arg2[%get3A, %get3A_7, %get3A_8] : memref<2x1000x128xf32, #tpu.memory_space<vmem>>, vector<1x1000x128xf32>
      %get3A_10 = vector.shape_cast %get3A_9 : vector<1x1000x128xf32> to vector<1000x128xf32>
      %get3A_11 = arith.constant 1 : index
      %get3A_12 = arith.constant 0 : index
      %get3A_13 = arith.constant 0 : index
      %get3A_14 = vector.load %arg2[%get3A_11, %get3A_12, %get3A_13] : memref<2x1000x128xf32, #tpu.memory_space<vmem>>, vector<1x1000x128xf32>
      %get3A_15 = vector.shape_cast %get3A_14 : vector<1x1000x128xf32> to vector<1000x128xf32>
      %add3A = arith.addf %get3A_10, %get3A_15 : vector<1000x128xf32>
      %get3A_16 = arith.constant 0 : index
      %get3A_17 = arith.constant 0 : index
      %get3A_18 = vector.load %arg4[%get3A_16, %get3A_17] : memref<128x128xf32, #tpu.memory_space<vmem>>, vector<128x128xf32>
      %dot_general3A = arith.constant dense<0.000000e+00> : vector<1000x128xf32>
      %dot_general3A_19 = tpu.matmul %add3A, %get3A_18, %dot_general3A {dimension_numbers = #tpu.dot_dimension_numbers<[1], [0], [0], [1], [0, 0, 1, 1], [], []>, transpose_lhs_hint = false} : vector<1000x128xf32>, vector<128x128xf32>, vector<1000x128xf32> -> vector<1000x128xf32>
      %max3A = arith.constant 0.000000e+00 : f32
      %max3A_20 = vector.broadcast %max3A : f32 to vector<1000x128xf32>
      %max3A_21 = arith.maximumf %dot_general3A_19, %max3A_20 : vector<1000x128xf32>
      %get3A_22 = arith.constant 0 : index
      %get3A_23 = arith.constant 0 : index
      %get3A_24 = vector.load %arg3[%get3A_22, %get3A_23] : memref<1000x128xf32, #tpu.memory_space<vmem>>, vector<1000x128xf32>
      %get3A_25 = arith.constant 0 : index
      %get3A_26 = arith.constant 0 : index
      %get3A_27 = vector.load %arg5[%get3A_25, %get3A_26] : memref<128x128xf32, #tpu.memory_space<vmem>>, vector<128x128xf32>
      %dot_general3A_28 = arith.constant dense<0.000000e+00> : vector<1000x128xf32>
      %dot_general3A_29 = tpu.matmul %get3A_24, %get3A_27, %dot_general3A_28 {dimension_numbers = #tpu.dot_dimension_numbers<[1], [0], [0], [1], [0, 0, 1, 1], [], []>, transpose_lhs_hint = false} : vector<1000x128xf32>, vector<128x128xf32>, vector<1000x128xf32> -> vector<1000x128xf32>
      %max3A_30 = arith.constant 0.000000e+00 : f32
      %max3A_31 = vector.broadcast %max3A_30 : f32 to vector<1000x128xf32>
      %max3A_32 = arith.maximumf %dot_general3A_29, %max3A_31 : vector<1000x128xf32>
      %add3A_33 = arith.addf %max3A_21, %max3A_32 : vector<1000x128xf32>
      %mul3A = arith.constant 1000 : i32
      %mul3A_34 = arith.muli %arg1, %mul3A : i32
      %swap3A = arith.index_cast %mul3A_34 : i32 to index
      %swap3A_35 = arith.constant 0 : index
      %swap3A_36 = vector.load %arg9[%swap3A, %swap3A_35] : memref<10000x128xf32, #tpu.memory_space<vmem>>, vector<1000x128xf32>
      tpu.vector_store %arg9[%swap3A, %swap3A_35], %add3A_33 {strides = array<i32>} : memref<10000x128xf32, #tpu.memory_space<vmem>>, vector<1000x128xf32>,
      %eq3A_37 = arith.constant 0 : i32
      %eq3A_38 = arith.cmpi eq, %arg1, %eq3A_37 : i32
      %convert_element_type3A_39 = arith.extui %eq3A_38 : i1 to i32
      %cond3A_40 = arith.constant 0 : i32
      %cond3A_41 = arith.cmpi ne, %convert_element_type3A_39, %cond3A_40 : i32
      scf.if %cond3A_41 {
        %broadcast_in_dim3A_61 = arith.constant 0.000000e+00 : f32
        %broadcast_in_dim3A_62 = vector.broadcast %broadcast_in_dim3A_61 : f32 to vector<2x128xf32>
        %swap3A_63 = arith.constant 0 : index
        %swap3A_64 = arith.constant 0 : index
        %swap3A_65 = vector.load %arg10[%swap3A_63, %swap3A_64] : memref<2x128xf32, #tpu.memory_space<vmem>>, vector<2x128xf32>
        tpu.vector_store %arg10[%swap3A_63, %swap3A_64], %broadcast_in_dim3A_62 {strides = array<i32>} : memref<2x128xf32, #tpu.memory_space<vmem>>, vector<2x128xf32>,
      } else {
      }
      %get3A_42 = arith.constant 0 : index
      %get3A_43 = arith.constant 0 : index
      %get3A_44 = vector.load %arg10[%get3A_42, %get3A_43] : memref<2x128xf32, #tpu.memory_space<vmem>>, vector<1x128xf32>
      %reduce_sum3A = arith.constant dense<0.000000e+00> : vector<128xf32>
      %reduce_sum3A_45 = vector.multi_reduction <add>, %add3A_33, %reduce_sum3A [0] : vector<1000x128xf32> to vector<128xf32>
      %broadcast_in_dim3A = vector.shape_cast %reduce_sum3A_45 : vector<128xf32> to vector<1x128xf32>
      %add3A_46 = arith.addf %get3A_44, %broadcast_in_dim3A : vector<1x128xf32>
      %swap3A_47 = arith.constant 0 : index
      %swap3A_48 = arith.constant 0 : index
      %swap3A_49 = vector.load %arg10[%swap3A_47, %swap3A_48] : memref<2x128xf32, #tpu.memory_space<vmem>>, vector<1x128xf32>
      tpu.vector_store %arg10[%swap3A_47, %swap3A_48], %add3A_46 {strides = array<i32>} : memref<2x128xf32, #tpu.memory_space<vmem>>, vector<1x128xf32>,
      %get3A_50 = arith.constant 1 : index
      %get3A_51 = arith.constant 0 : index
      %get3A_52 = vector.load %arg10[%get3A_50, %get3A_51] : memref<2x128xf32, #tpu.memory_space<vmem>>, vector<1x128xf32>
      %mul3A_53 = arith.mulf %add3A_33, %add3A_33 : vector<1000x128xf32>
      %reduce_sum3A_54 = arith.constant dense<0.000000e+00> : vector<128xf32>
      %reduce_sum3A_55 = vector.multi_reduction <add>, %mul3A_53, %reduce_sum3A_54 [0] : vector<1000x128xf32> to vector<128xf32>
      %broadcast_in_dim3A_56 = vector.shape_cast %reduce_sum3A_55 : vector<128xf32> to vector<1x128xf32>
      %add3A_57 = arith.addf %get3A_52, %broadcast_in_dim3A_56 : vector<1x128xf32>
      %swap3A_58 = arith.constant 1 : index
      %swap3A_59 = arith.constant 0 : index
      %swap3A_60 = vector.load %arg10[%swap3A_58, %swap3A_59] : memref<2x128xf32, #tpu.memory_space<vmem>>, vector<1x128xf32>
      tpu.vector_store %arg10[%swap3A_58, %swap3A_59], %add3A_57 {strides = array<i32>} : memref<2x128xf32, #tpu.memory_space<vmem>>, vector<1x128xf32>,
    } else {
    }
    %eq3A_2 = arith.constant 1 : i32
    %eq3A_3 = arith.cmpi eq, %arg0, %eq3A_2 : i32
    %convert_element_type3A_4 = arith.extui %eq3A_3 : i1 to i32
    %cond3A_5 = arith.constant 0 : i32
    %cond3A_6 = arith.cmpi ne, %convert_element_type3A_4, %cond3A_5 : i32
    scf.if %cond3A_6 {
      %mul3A = arith.constant 1000 : i32
      %mul3A_7 = arith.muli %arg1, %mul3A : i32
      %get3A = arith.index_cast %mul3A_7 : i32 to index
      %get3A_8 = arith.constant 0 : index
      %get3A_9 = vector.load %arg9[%get3A, %get3A_8] : memref<10000x128xf32, #tpu.memory_space<vmem>>, vector<1000x128xf32>
      %get3A_10 = arith.constant 0 : index
      %get3A_11 = arith.constant 0 : index
      %get3A_12 = vector.load %arg10[%get3A_10, %get3A_11] : memref<2x128xf32, #tpu.memory_space<vmem>>, vector<1x128xf32>
      %mul3A_13 = arith.constant 9.99999974E-5 : f32
      %mul3A_14 = vector.broadcast %mul3A_13 : f32 to vector<1x128xf32>
      %mul3A_15 = arith.mulf %get3A_12, %mul3A_14 : vector<1x128xf32>
      %get3A_16 = arith.constant 1 : index
      %get3A_17 = arith.constant 0 : index
      %get3A_18 = vector.load %arg10[%get3A_16, %get3A_17] : memref<2x128xf32, #tpu.memory_space<vmem>>, vector<1x128xf32>
      %mul3A_19 = arith.constant 9.99999974E-5 : f32
      %mul3A_20 = vector.broadcast %mul3A_19 : f32 to vector<1x128xf32>
      %mul3A_21 = arith.mulf %get3A_18, %mul3A_20 : vector<1x128xf32>
      %mul3A_22 = arith.mulf %mul3A_15, %mul3A_15 : vector<1x128xf32>
      %sub3A = arith.subf %mul3A_21, %mul3A_22 : vector<1x128xf32>
      %add3A = arith.constant 9.99999974E-6 : f32
      %add3A_23 = vector.broadcast %add3A : f32 to vector<1x128xf32>
      %add3A_24 = arith.addf %sub3A, %add3A_23 : vector<1x128xf32>
      %rsqrt3A = math.rsqrt %add3A_24 : vector<1x128xf32>
      %sub3A_25 = vector.broadcast %mul3A_15 : vector<1x128xf32> to vector<1000x128xf32>
      %sub3A_26 = arith.subf %get3A_9, %sub3A_25 : vector<1000x128xf32>
      %get3A_27 = arith.constant 0 : index
      %get3A_28 = arith.constant 0 : index
      %get3A_29 = vector.load %arg6[%get3A_27, %get3A_28] : memref<1x128xf32, #tpu.memory_space<vmem>>, vector<1x128xf32>
      %mul3A_30 = arith.mulf %rsqrt3A, %get3A_29 : vector<1x128xf32>
      %mul3A_31 = vector.broadcast %mul3A_30 : vector<1x128xf32> to vector<1000x128xf32>
      %mul3A_32 = arith.mulf %sub3A_26, %mul3A_31 : vector<1000x128xf32>
      %get3A_33 = arith.constant 0 : index
      %get3A_34 = arith.constant 0 : index
      %get3A_35 = vector.load %arg7[%get3A_33, %get3A_34] : memref<1x128xf32, #tpu.memory_space<vmem>>, vector<1x128xf32>
      %add3A_36 = vector.broadcast %get3A_35 : vector<1x128xf32> to vector<1000x128xf32>
      %add3A_37 = arith.addf %mul3A_32, %add3A_36 : vector<1000x128xf32>
      %swap3A = arith.constant 0 : index
      %swap3A_38 = arith.constant 0 : index
      %swap3A_39 = vector.load %arg8[%swap3A, %swap3A_38] : memref<1000x128xf32, #tpu.memory_space<vmem>>, vector<1000x128xf32>
      tpu.vector_store %arg8[%swap3A, %swap3A_38], %add3A_37 {strides = array<i32>} : memref<1000x128xf32, #tpu.memory_space<vmem>>, vector<1000x128xf32>,
    } else {
    }
    return
  }
  func.func @transform_0(%arg0: i32, %arg1: i32) -> (i32, i32, i32) {
    %eq3A = arith.constant 0 : i32
    %eq3A_0 = arith.cmpi eq, %arg0, %eq3A : i32
    %jit3A = arith.constant 9 : i32
    %select_n3A = arith.select %eq3A_0, %arg1, %jit3A : i32
    %c0_i32 = arith.constant 0 : i32
    %c0_i32_1 = arith.constant 0 : i32
    %c0_i32_2 = arith.constant 0 : i32
    return %c0_i32, %select_n3A, %c0_i32_1 : i32, i32, i32
  }
  func.func @transform_1(%arg0: i32, %arg1: i32) -> (i32, i32) {
    %eq3A = arith.constant 0 : i32
    %eq3A_0 = arith.cmpi eq, %arg0, %eq3A : i32
    %jit3A = arith.constant 9 : i32
    %select_n3A = arith.select %eq3A_0, %arg1, %jit3A : i32
    %c0_i32 = arith.constant 0 : i32
    %c0_i32_1 = arith.constant 0 : i32
    return %select_n3A, %c0_i32 : i32, i32
  }
  func.func @transform_2(%arg0: i32, %arg1: i32) -> (i32, i32) {
    %c0_i32 = arith.constant 0 : i32
    %c0_i32_0 = arith.constant 0 : i32
    %c0_i32_1 = arith.constant 0 : i32
    return %c0_i32, %c0_i32_0 : i32, i32
  }
  func.func @transform_3(%arg0: i32, %arg1: i32) -> (i32, i32) {
    %c0_i32 = arith.constant 0 : i32
    %c0_i32_0 = arith.constant 0 : i32
    %c0_i32_1 = arith.constant 0 : i32
    return %c0_i32, %c0_i32_0 : i32, i32
  }
  func.func @transform_4(%arg0: i32, %arg1: i32) -> (i32, i32) {
    %c0_i32 = arith.constant 0 : i32
    %c0_i32_0 = arith.constant 0 : i32
    %c0_i32_1 = arith.constant 0 : i32
    return %c0_i32, %c0_i32_0 : i32, i32
  }
  func.func @transform_5(%arg0: i32, %arg1: i32) -> (i32, i32) {
    %c0_i32 = arith.constant 0 : i32
    %c0_i32_0 = arith.constant 0 : i32
    %c0_i32_1 = arith.constant 0 : i32
    return %c0_i32, %c0_i32_0 : i32, i32
  }
  func.func @transform_6(%arg0: i32, %arg1: i32) -> (i32, i32) {
    %eq3A = arith.constant 0 : i32
    %eq3A_0 = arith.cmpi eq, %arg0, %eq3A : i32
    %jit3A = arith.constant 0 : i32
    %select_n3A = arith.select %eq3A_0, %jit3A, %arg1 : i32
    %c0_i32 = arith.constant 0 : i32
    %c0_i32_1 = arith.constant 0 : i32
    return %select_n3A, %c0_i32 : i32, i32
  }
}

</mosaic_0001>

<sc_bundles>
// kernel: kernel.6.cloned.1.call-start
scs
__scs_entry_jumppad:
0x0: {  	(pc) =	sbr.rel $0x88, $3  }
0x1: {  	(tag) =	ssettag $0x0;
	lr =	simm.s32 $0x1  }
0x2: {  	[smem:$0x3F97] =	sst lr;
	_ =	strace $0xD0000000  }
0x3: {  	_ = 	snop  }
0x4: {  	_ = 	snop  }
0x5: {  	_ = 	snop  }
0x6: {  	_ = 	snop  }
0x7: {  	_ = 	snop  }
__scs_overlays_trampoline_lowered:
0x8: {  	[smem:$0x3FA6] =	sst s0  }
0x9: {  	[smem:$0x3FA7] =	sst s1  }
0xa: {  	[smem:$0x3FA8] =	sst s2  }
0xb: {  	[smem:$0x3FA9] =	sst s3  }
0xc: {  	[smem:$0x3FAA] =	sst s4  }
0xd: {  	[smem:$0x3FAB] =	sst s5  }
0xe: {  	[smem:$0x3FAC] =	sst s6  }
0xf: {  	[smem:$0x3FAD] =	sst s7  }
0x10: {  	[smem:$0x3FAE] =	sst s8  }
0x11: {  	[smem:$0x3FAF] =	sst s9;
	s0 =	simm.s32 @!p0 $0x0  }
0x12: {  	s1 =	sld [smem:$0x3F95];
	s0 =	simm.s32 @p0 $0x1  }
0x13: {  	[smem:$0x3FB0] =	sst s0;
	s0 =	simm.s32 @!p1 $0x0  }
0x14: {  	s2 =	sld [smem:$0x3F94];
	s0 =	simm.s32 @p1 $0x1  }
0x15: {  	[smem:$0x3FB1] =	sst s0;
	s0 =	simm.s32 @!p2 $0x0  }
0x16: {  	s3 =	sld [smem:$0x3FDB];
	s0 =	simm.s32 @p2 $0x1  }
0x17: {  	s4 =	simm.s32 $0x1BF5;
	[smem:$0x3FB3] =	sst s0  }
0x18: {  	s0 =	sld [smem:$0x3F96];
	_ =	swait.ge [sflag:s4], $0x0  }
0x19: {  	s7 =	sld [smem:$0x3F97]  }
0x1a: {  	s8 =	sadd.s32 $0xFFFFE003, lr  }
0x1b: {  	s9 =	sadd.s32 $0xFFFFFEF7, lr;
	s5 =	simm.s32 $0xFFFFFFFF;
	p2 =	slt.u32 s8, $0xFFFFF086  }
0x1c: {  	p1 =	slt.u32 s9, $0xF7A;
	s5 =	simm.s32 @!p2 $0x0  }
0x1d: {  	s5 =	simm.s32 @p1 $0x1;
	p0 =	seq.s32 s7, s2  }
0x1e: {  	s7 =	smul.u32 @!p0 $0xF7A, s2;
	p2 =	seq.s32 @!p0 s5, $0x0  }
0x1f: {  	s9 =	smul.u32 $0xF7A, s1;
	s8 =	simm.s32 @!p0 $0x1BF5;
	p2 =	por !p2, p0  }
0x20: {  	[sflag:s8] =	ssyncset.s32 @!p0 $0xFFFFF086;
	s6 =	sadd.s32 @!p0 s3, s7;
	s7 =	simm.s32 @!p0 $0x108  }
0x21: {  	s3 =	sadd.s32 s3, s9;
	s6 =	sadd.s32 @!p0 $0x88, s6;
	s7 =	simm.s32 @p2 $0x1082  }
0x22: {  	[simem:s7], [sflag:s8] =	dma.local @!p0 [hbm:s6], $0xF7A  }
0x23: {  	s9 =	sor.u32 $0xD0000000, s2;
	s6 =	simm.s32 $0x108;
	_ =	swait.ge @!p0 [sflag:s8], $0x0  }
0x24: {  	s3 =	sadd.s32 $0x88, s3;
	s6 =	simm.s32 @!p1 $0x1082;
	[sflag:s4] =	ssyncset.s32 $0xFFFFF086  }
0x25: {  	[simem:s6], [sflag:s4] =	dma.local [hbm:s3], $0xF7A  }
0x26: {  	[smem:$0x3F97] =	sst s1;
	(tag) =	ssettag s2;
	_ =	strace s9  }
0x27: {  	s1 =	sld [smem:$0x3FA7]  }
0x28: {  	s2 =	sld [smem:$0x3FA8]  }
0x29: {  	s4 =	sld [smem:$0x3FAA]  }
0x2a: {  	p0 =	seq.s32 s5, $0x0;
	s5 =	sld [smem:$0x3FAB]  }
0x2b: {  	s6 =	sld [smem:$0x3FAC]  }
0x2c: {  	s7 =	sld [smem:$0x3FAD]  }
0x2d: {  	s3 =	simm.s32 $0x108;
	s8 =	sld [smem:$0x3FAE]  }
0x2e: {  	s3 =	simm.s32 @!p0 $0x1082;
	s9 =	sld [smem:$0x3FAF]  }
0x2f: {  	lr =	sadd.s32 s0, s3;
	s0 =	sld [smem:$0x3FA6]  }
0x30: {  	s3 =	sld [smem:$0x3FA9]  }
0x31: {  	[smem:$0x3FB2] =	sst s10  }
0x32: {  	s10 =	sld [smem:$0x3FB0];
	_ =	sdelay $0x3  }
0x33: {  	p0 =	seq.s32 s10, $0x1;
	s10 =	sld [smem:$0x3FB2];
	_ =	sdelay $0x3  }
0x34: {  	[smem:$0x3FB2] =	sst s10  }
0x35: {  	s10 =	sld [smem:$0x3FB1];
	_ =	sdelay $0x3  }
0x36: {  	p1 =	seq.s32 s10, $0x1;
	s10 =	sld [smem:$0x3FB2];
	_ =	sdelay $0x3  }
0x37: {  	[smem:$0x3FB2] =	sst s10  }
0x38: {  	s10 =	sld [smem:$0x3FB3]  }
0x39: {  	_ = 	snop;
	(pc) =	sbr.ind lr, $3  }
0x3a: {  	_ = 	snop  }
0x3b: {  	_ = 	snop  }
0x3c: {  	p2 =	seq.s32 s10, $0x1;
	s10 =	sld [smem:$0x3FB2]  }
0x3d: {  	_ =	shalt  }
0x3e: {  	_ =	shalt  }
0x3f: {  	_ =	shalt  }
0x40: {  	_ =	shalt  }
0x41: {  	_ =	shalt  }
0x42: {  	_ =	shalt  }
0x43: {  	_ =	shalt  }
0x44: {  	_ =	shalt  }
0x45: {  	_ =	shalt  }
0x46: {  	_ =	shalt  }
0x47: {  	_ =	shalt  }
0x48: {  	_ =	shalt  }
0x49: {  	_ =	shalt  }
0x4a: {  	_ =	shalt  }
0x4b: {  	_ =	shalt  }
0x4c: {  	_ =	shalt  }
0x4d: {  	_ =	shalt  }
0x4e: {  	_ =	shalt  }
0x4f: {  	_ =	shalt  }
0x50: {  	_ =	shalt  }
0x51: {  	_ =	shalt  }
0x52: {  	_ =	shalt  }
0x53: {  	_ =	shalt  }
0x54: {  	_ =	shalt  }
0x55: {  	_ =	shalt  }
0x56: {  	_ =	shalt  }
0x57: {  	_ =	shalt  }
0x58: {  	_ =	shalt  }
0x59: {  	_ =	shalt  }
0x5a: {  	_ =	shalt  }
0x5b: {  	_ =	shalt  }
0x5c: {  	_ =	shalt  }
0x5d: {  	_ =	shalt  }
0x5e: {  	_ =	shalt  }
0x5f: {  	_ =	shalt  }
0x60: {  	_ =	shalt  }
0x61: {  	_ =	shalt  }
0x62: {  	_ =	shalt  }
0x63: {  	_ =	shalt  }
0x64: {  	_ =	shalt  }
0x65: {  	_ =	shalt  }
0x66: {  	_ =	shalt  }
0x67: {  	_ =	shalt  }
0x68: {  	_ =	shalt  }
0x69: {  	_ =	shalt  }
0x6a: {  	_ =	shalt  }
0x6b: {  	_ =	shalt  }
0x6c: {  	_ =	shalt  }
0x6d: {  	_ =	shalt  }
0x6e: {  	_ =	shalt  }
0x6f: {  	_ =	shalt  }
0x70: {  	_ =	shalt  }
0x71: {  	_ =	shalt  }
0x72: {  	_ =	shalt  }
0x73: {  	_ =	shalt  }
0x74: {  	_ =	shalt  }
0x75: {  	_ =	shalt  }
0x76: {  	_ =	shalt  }
0x77: {  	_ =	shalt  }
0x78: {  	_ =	shalt  }
0x79: {  	_ =	shalt  }
0x7a: {  	_ =	shalt  }
0x7b: {  	_ =	shalt  }
0x7c: {  	_ =	shalt  }
0x7d: {  	_ =	shalt  }
0x7e: {  	_ =	shalt  }
0x7f: {  	_ =	shalt  }
0x80: {  	_ =	shalt  }
0x81: {  	_ =	shalt  }
0x82: {  	_ =	shalt  }
0x83: {  	_ =	shalt  }
0x84: {  	_ =	shalt  }
0x85: {  	_ =	shalt  }
0x86: {  	_ =	shalt  }
0x87: {  	_ =	shalt  }
.Lfunc_end0:
.L_simem_size_0:
called_computation_lowered:
.L_overlay_start_0:
0x88: {  	s2 =	sld [smem:$0x3FD9]  }
0x89: {  	s3 =	sld [smem:$0x3FFE];
	_ =	sdelay $0x1  }
0x8a: {  	s1 =	srdreg.scid  }
0x8b: {  	s0 =	sand.u32 $0x1, s1  }
0x8c: {  	s17 =	sshll.u32 s0, $0xA;
	s2 =	sadd.s32 s3, s2  }
0x8d: {  	s2 =	sadd.s32 s2, s17  }
0x8e: {  	[smem:$0x3FBE] =	sst s2  }
0x8f: {  	_ = 	snop  }
0x90: {  	s2 =	sld [smem:$0x3FC9];
	(tm) =	ssettm $0x1  }
0x91: {  	s18 =	sld [smem:$0x3FFB];
	_ =	sdelay $0x3  }
0x92: {  	_ =	strace s18  }
0x93: {  	s3 =	sld [smem:$0x3FFC];
	_ =	sdelay $0x3  }
0x94: {  	_ =	strace s3  }
0x95: {  	s3 =	sld [smem:$0x3FFD];
	_ =	sdelay $0x3  }
0x96: {  	_ =	strace s3  }
0x97: {  	_ =	strace $0x8FFFFFFF  }
0x98: {  	s19 =	sld [smem:$0x3FDB];
	_ =	sdelay $0x1  }
0x99: {  	s4 =	simm.s32 $_scs_section_size  }
0x9a: {  	s5 =	simm.s32 $_size__tile_overlayer_lowered;
	s6 =	simm.s32 $_tile_overlayer_lowered  }
0x9b: {  	s22 =	simm.s32 $0x1BFF;
	s21 =	sshll.u32 s6, $0x1;
	s3 =	sadd.s32 s4, s19  }
0x9c: {  	s7 =	simm.s32 $0x0;
	s20 =	sshll.u32 s5, $0x1;
	s5 =	sadd.s32 s21, s3  }
0x9d: {  	[timem:s7], [sflag:s22] =	dma.local [hbm:s5], s20  }
0x9e: {  	_ =	swait.ge [sflag:s22], s20  }
0x9f: {  	s4 =	ssub.s32 $0x0, s20;
	[sflag:s22] =	ssyncset.done $0x0  }
0xa0: {  	[sflag:s22] =	ssyncadd.s32 s4;
	_ =	sdelay $0x1  }
0xa1: {  	s23 =	simm.s32 $0x1B8B  }
0xa2: {  	_ =	swait.ge [sflag:s23], $0x1  }
0xa3: {  	[sflag:s23] =	ssyncset.done $0x0  }
0xa4: {  	s25 =	simm.s32 $0x1B8E;
	s24 =	sld [smem:$0x3FFE];
	[sflag:s23] =	ssyncadd.s32 $0xFFFFFFFF  }
0xa5: {  	s26 =	simm.s32 $execute0_lowered;
	[smem:$0x3FD2] =	sst s25  }
0xa6: {  	s5 =	sshll.u32 s26, $0x1;
	_ =	strace $0x80000046;
	[dreg:$0x1] =	wrdreg $0xFFFFFFFF  }
0xa7: {  	s28 =	simm.s32 $_size_execute0_lowered;
	s3 =	sadd.s32 s3, s5;
	[dreg:$0x0] =	wrdreg $0x0  }
0xa8: {  	s5 =	sshll.u32 s28, $0x1;
	[dreg:$0x2] =	wrdreg s3  }
0xa9: {  	[dreg:$0x3] =	wrdreg s5  }
0xaa: {  	[dreg:$0x4] =	wrdreg $0xC0  }
0xab: {  	_ =	task [dreg:s7], $0x5FFFF  }
0xac: {  	[dreg:$0x1] =	wrdreg $0xFFFFFFFF  }
0xad: {  	[dreg:$0x0] =	wrdreg $0x60  }
0xae: {  	[dreg:$0x2] =	wrdreg s2  }
0xaf: {  	[dreg:$0x3] =	wrdreg s24  }
0xb0: {  	[dreg:$0x4] =	wrdreg $0xA9000  }
0xb1: {  	[dreg:$0x5] =	wrdreg $0x9  }
0xb2: {  	_ =	task.clear_ibuf [dreg:s7], $0x6FFFF;
	_ =	strace $0x90000046  }
0xb3: {  	s29 =	simm.s32 $0x9;
	_ =	strace $0x80000048  }
0xb4: {  	_ =	swait.ge [sflag:s29], $0x1  }
0xb5: {  	[sflag:s29] =	ssyncadd.s32 $0xFFFFFFFF  }
0xb6: {  	_ =	strace $0x90000048  }
0xb7: {  	_ =	sfence  }
0xb8: {  	s30 =	sld [smem:$0x0];
	_ =	sdelay $0x2  }
0xb9: {  	s31 =	sshll.u32 s1, $0xD;
	s1 =	sshrl.u32 s1, $0x2  }
0xba: {  	s3 =	sand.u32 $0x4000, s31;
	s1 =	sadd.s32 s1, s30  }
0xbb: {  	s0 =	sor.u32 s3, s0;
	s1 =	sshll.u32 s1, $0x11  }
0xbc: {  	s0 =	sor.u32 s1, s0  }
0xbd: {  	s0 =	sadd.s32 $0x8F2B, s0  }
0xbe: {  	[sflag:s0] =	ssyncadd.remote.s32 $0x1  }
0xbf: {  	_ =	sfence.sel $0xFFFF  }
0xc0: {  	[dreg:$0x0] =	wrdreg $0xFFFFFFFF;
	(pc) =	sbr.abs _section_cstart, $3  }
0xc1: {  	[dreg:$0x1] =	wrdreg $0xFFFFFFFF  }
0xc2: {  	_ =	task.clear_ibuf [dreg:s7], $0x2FFFF;
	_ =	strace $0x9FFFFFFF  }
0xc3: {  	(tm) =	ssettm $0x7FFFFFFF  }
tec
execute0_lowered:
.L_overlay_start_1:
0x0: {  	(tag) =	ssettag $0x1  }
0x1: {  	s1 =	rddreg [dreg:$0x0];
	s0 =	srdreg.scid  }
0x2: {  	s12 =	stileid.u32;
	s2 =	rddreg [dreg:$0x1]  }
0x3: {  	s3 =	rddreg [dreg:$0x2];
	s25 =	smul.u32 $0x13800, s12  }
0x4: {  	s0 =	sand.u32 $0x1, s0;
	s4 =	sshll.u32 s12, $0x1;
	s26 =	smul.u32 $0x4E000, s12  }
0x5: {  	s7 =	sadd.s32 $0xC000, s2;
	s16 =	smul.u32 $0x4E00, s12;
	p0 =	sne.s32 s12, $0xF  }
0x6: {  	s12 =	simm.s32 $0x2800;
	s5 =	sor.u32 s0, s4;
	s24 =	smul.u32 $0x138800, s0  }
0x7: {  	s4 =	simm.s32 $0x0;
	s9 =	ssub.s32 $0x2, s0;
	s0 =	smul.u32 $0x2700, s0  }
0x8: {  	s6 =	smul.u32 $0x4E2, s5;
	[smem:$0x7FF] =	sst s4;
	s8 =	sshll.u32 s5, $0x4  }
0x9: {  	s10 =	sshrl.u32 s9, $0x1;
	s5 =	smul.u32 $0x2700, s5;
	_ =	strace $0x80000047  }
0xa: {  	s8 =	sadd.s32 s8, s2;
	s9 =	ssub.s32 s9, s10;
	s10 =	sshrl.u32 s24, $0x3  }
0xb: {  	s0 =	sadd.s32 s0, s16;
	s16 =	simm.s32 $0x7;
	s6 =	sadd.s32 s6, s2  }
0xc: {  	s2 =	sadd.s32 $0x15C00, s2;
	s5 =	sshrl.u32 s5, $0x3;
	s8 =	sadd.s32 $0xBE00, s8  }
0xd: {  	s14 =	smax.u32 s9, $0x1;
	s9 =	simm.s32 $0x2;
	s6 =	sadd.s32 $0x2000, s6  }
0xe: {  	[dreg:$0x5] =	wrdreg s8;
	s13 =	sadd.s32 s7, s5;
	s8 =	sadd.s32 $0x138000, s3  }
0xf: {  	s5 =	sshrl.u32 s26, $0x2;
	s11 =	sadd.s32 s2, s10;
	[dreg:$0x8] =	wrdreg s14  }
0x10: {  	[dreg:$0x4] =	wrdreg s6;
	s10 =	sadd.s32 s5, s3;
	s11 =	sadd.s32 $0x27000, s11  }
0x11: {  	s14 =	simm.s32 $0x3;
	[dreg:$0x7] =	wrdreg s11;
	s15 =	sadd.s32 $0x1800, s10  }
0x12: {  	s6 =	sadd.s32 s25, s24;
	s5 =	sadd.s32 $0x3000, s10;
	[dreg:$0x9] =	wrdreg s15  }
0x13: {  	s24 =	sadd.s32 $0x180, s0;
	s17 =	sadd.s32 $0x4800, s10;
	[dreg:$0xa] =	wrdreg s5  }
0x14: {  	s0 =	sadd.s32 $0x200, s0;
	s18 =	sadd.s32 $0x6000, s10;
	[dreg:$0xb] =	wrdreg s17  }
0x15: {  	s28 =	sadd.s32 $0x10, s13;
	s19 =	sadd.s32 $0x7800, s10;
	[dreg:$0xc] =	wrdreg s18  }
0x16: {  	s29 =	sadd.s32 $0x20, s13;
	s20 =	sadd.s32 $0x9000, s10;
	[dreg:$0xd] =	wrdreg s19  }
0x17: {  	s31 =	smov.u32 s13;
	s21 =	sadd.s32 $0xA800, s10;
	[dreg:$0xe] =	wrdreg s20  }
0x18: {  	s30 =	sadd.s32 $0x4D0, s13;
	s22 =	sadd.s32 $0xC000, s10;
	[dreg:$0xf] =	wrdreg s21  }
0x19: {  	s13 =	simm.s32 $0x6;
	s23 =	sadd.s32 $0xD800, s10;
	[dreg:$0x10] =	wrdreg s22  }
0x1a: {  	s6 =	sshrl.u32 s6, $0x3;
	s25 =	sadd.s32 $0xF000, s10;
	[dreg:$0x11] =	wrdreg s23  }
0x1b: {  	s0 =	sshrl.u32 s0, $0x3;
	s26 =	sadd.s32 $0x10800, s10;
	[dreg:$0x12] =	wrdreg s25  }
0x1c: {  	s11 =	simm.s32 $0x6900;
	s2 =	sadd.s32 s2, s6;
	[dreg:$0x13] =	wrdreg s26  }
0x1d: {  	s26 =	sadd.s32 $0x12000, s10;
	s25 =	simm.s32 $0x2880;
	s5 =	simm.s32 $0x1  }
0x1e: {  	s6 =	simm.s32 $0x80;
	s15 =	simm.s32 $0x4;
	s17 =	simm.s32 $0x5  }
0x1f: {  	s18 =	simm.s32 $0x10;
	s19 =	simm.s32 $0x8;
	s20 =	simm.s32 $0x0  }
0x20: {  	[dreg:$0x6] =	wrdreg s2;
	s2 =	sshrl.u32 s24, $0x3;
	s24 =	sadd.s32 s0, s7  }
0x21: {  	v0 =	vimm.f32 $0.0e+00;
	s0 =	simm.s32 $0x2900;
	s23 =	sadd.s32 s2, s7;
	s2 =	simm.s32 $0x2780  }
.LBB2_1:
0x22: {  	s7 =	rddreg [dreg:$0x4]  }
0x23: {  	[tilespmem:s4], [sflag:$0x1] =	stream.linear.gather [hbm4b:s7+s4], $0x2710, $0x38;
	[tilespmem:$0x1E180] =	vst v63  }
0x24: {  	s22 =	rddreg [dreg:$0x5]  }
0x25: {  	[tilespmem:s25], [sflag:$0x1] =	stream.linear.gather [hbm4b:s22+s4], $0x80, $0x38;
	[tilespmem:$0x1E180] =	vst v63  }
0x26: {  	s25 =	sand.u32 $0x7E00, s4  }
0x27: {  	s22 =	sand.u32 $0x70, s4;
	s7 =	sshrl.u32 s25, $0x2  }
0x28: {  	[tilespmem:s2], [sflag:$0x6] =	stream.linear.gather [hbm4b:s31+s4], $0x80, $0x38;
	[tilespmem:$0x1E180] =	vst v63  }
0x29: {  	s21 =	simm.s32 $0x40;
	s7 =	sor.u32 s22, s7;
	s22 =	simm.s32 $0x0  }
.LBB2_2:
0x2a: {  	p1 =	sne.s32 s21, $0x5FC0  }
0x2b: {  	[tilespmem:s7+$0x2900] =	vst v0;
	s22 =	sadd.s32 $0x10, s22;
	s7 =	smov.u32 s21;
	s21 =	sadd.s32 $0x40, s21  }
.Ltmp0:
0x2c: {  	(pc) =	sbr.rel @p1 .LBB2_2-.Ltmp0, $4  }
0x2d: {  	_ = 	snop  }
0x2e: {  	s7 =	sand.u32 $0x7E00, s7  }
0x2f: {  	s25 =	sand.u32 $0x70, s22;
	s7 =	sshrl.u32 s7, $0x2  }
0x30: {  	s7 =	sor.u32 s25, s7  }
0x31: {  	[tilespmem:s7+$0x2900] =	vst v0  }
0x32: {  	[spmem:s10] =	stream.linear.scatter [tilespmem:s0], [sflag:$0x1], $0x1800, $0x38;
	[tilespmem:$0x1E180] =	vst v63  }
0x33: {  	s22 =	rddreg [dreg:$0x9]  }
0x34: {  	[spmem:s22] =	stream.linear.scatter [tilespmem:s0], [sflag:$0x1], $0x1800, $0x38;
	[tilespmem:$0x1E180] =	vst v63  }
0x35: {  	s25 =	rddreg [dreg:$0xa]  }
0x36: {  	[spmem:s25] =	stream.linear.scatter [tilespmem:s0], [sflag:$0x1], $0x1800, $0x38;
	[tilespmem:$0x1E180] =	vst v63  }
0x37: {  	s21 =	rddreg [dreg:$0xb]  }
0x38: {  	[spmem:s21] =	stream.linear.scatter [tilespmem:s0], [sflag:$0x1], $0x1800, $0x38;
	[tilespmem:$0x1E180] =	vst v63  }
0x39: {  	s22 =	rddreg [dreg:$0xc]  }
0x3a: {  	[spmem:s22] =	stream.linear.scatter [tilespmem:s0], [sflag:$0x1], $0x1800, $0x38;
	[tilespmem:$0x1E180] =	vst v63  }
0x3b: {  	s25 =	rddreg [dreg:$0xd]  }
0x3c: {  	[spmem:s25] =	stream.linear.scatter [tilespmem:s0], [sflag:$0x1], $0x1800, $0x38;
	[tilespmem:$0x1E180] =	vst v63  }
0x3d: {  	s21 =	rddreg [dreg:$0xe]  }
0x3e: {  	[spmem:s21] =	stream.linear.scatter [tilespmem:s0], [sflag:$0x1], $0x1800, $0x38;
	[tilespmem:$0x1E180] =	vst v63  }
0x3f: {  	s22 =	rddreg [dreg:$0xf]  }
0x40: {  	[spmem:s22] =	stream.linear.scatter [tilespmem:s0], [sflag:$0x1], $0x1800, $0x38;
	[tilespmem:$0x1E180] =	vst v63  }
0x41: {  	s25 =	rddreg [dreg:$0x10]  }
0x42: {  	[spmem:s25] =	stream.linear.scatter [tilespmem:s0], [sflag:$0x1], $0x1800, $0x38;
	[tilespmem:$0x1E180] =	vst v63  }
0x43: {  	s21 =	rddreg [dreg:$0x11]  }
0x44: {  	[spmem:s21] =	stream.linear.scatter [tilespmem:s0], [sflag:$0x1], $0x1800, $0x38;
	[tilespmem:$0x1E180] =	vst v63  }
0x45: {  	s22 =	rddreg [dreg:$0x12]  }
0x46: {  	[spmem:s22] =	stream.linear.scatter [tilespmem:s0], [sflag:$0x1], $0x1800, $0x38;
	[tilespmem:$0x1E180] =	vst v63  }
0x47: {  	s25 =	rddreg [dreg:$0x13]  }
0x48: {  	[spmem:s25] =	stream.linear.scatter [tilespmem:s0], [sflag:$0x1], $0x1800, $0x38;
	[tilespmem:$0x1E180] =	vst v63  }
0x49: {  	_ = 	snop  }
0x4a: {  	[spmem:s26] =	stream.linear.scatter [tilespmem:s0], [sflag:$0x1], $0x1800, $0x38;
	[tilespmem:$0x1E180] =	vst v63  }
0x4b: {  	s7 =	simm.s32 @!p0 $0x2900  }
0x4c: {  	[spmem:s8] =	stream.linear.scatter @!p0 [tilespmem:s7], [sflag:$0x1], $0x800, $0x38;
	[tilespmem:$0x1E180] =	vst v63  }
0x4d: {  	_ =	swait.ge [sflag:s5], $0x1800  }
0x4e: {  	[sflag:s5] =	ssyncset.done $0x0  }
0x4f: {  	[sflag:s5] =	ssyncadd.s32 $0xFFFFE800  }
0x50: {  	_ =	swait.ge [sflag:s5], $0x1800  }
0x51: {  	[sflag:s5] =	ssyncset.done $0x0  }
0x52: {  	[sflag:s5] =	ssyncadd.s32 $0xFFFFE800  }
0x53: {  	_ =	swait.ge [sflag:s5], $0x1800  }
0x54: {  	[sflag:s5] =	ssyncset.done $0x0  }
0x55: {  	[sflag:s5] =	ssyncadd.s32 $0xFFFFE800  }
0x56: {  	_ =	swait.ge [sflag:s5], $0x1800  }
0x57: {  	[sflag:s5] =	ssyncset.done $0x0  }
0x58: {  	[sflag:s5] =	ssyncadd.s32 $0xFFFFE800  }
0x59: {  	_ =	swait.ge [sflag:s5], $0x1800  }
0x5a: {  	[sflag:s5] =	ssyncset.done $0x0  }
0x5b: {  	[sflag:s5] =	ssyncadd.s32 $0xFFFFE800  }
0x5c: {  	_ =	swait.ge [sflag:s5], $0x1800  }
0x5d: {  	[sflag:s5] =	ssyncset.done $0x0  }
0x5e: {  	[sflag:s5] =	ssyncadd.s32 $0xFFFFE800  }
0x5f: {  	_ =	swait.ge [sflag:s5], $0x1800  }
0x60: {  	[sflag:s5] =	ssyncset.done $0x0  }
0x61: {  	[sflag:s5] =	ssyncadd.s32 $0xFFFFE800  }
0x62: {  	_ =	swait.ge [sflag:s5], $0x1800  }
0x63: {  	[sflag:s5] =	ssyncset.done $0x0  }
0x64: {  	[sflag:s5] =	ssyncadd.s32 $0xFFFFE800  }
0x65: {  	_ =	swait.ge [sflag:s5], $0x1800  }
0x66: {  	[sflag:s5] =	ssyncset.done $0x0  }
0x67: {  	[sflag:s5] =	ssyncadd.s32 $0xFFFFE800  }
0x68: {  	_ =	swait.ge [sflag:s5], $0x1800  }
0x69: {  	[sflag:s5] =	ssyncset.done $0x0  }
0x6a: {  	[sflag:s5] =	ssyncadd.s32 $0xFFFFE800  }
0x6b: {  	_ =	swait.ge [sflag:s5], $0x1800  }
0x6c: {  	[sflag:s5] =	ssyncset.done $0x0  }
0x6d: {  	[sflag:s5] =	ssyncadd.s32 $0xFFFFE800  }
0x6e: {  	_ =	swait.ge [sflag:s5], $0x1800  }
0x6f: {  	[sflag:s5] =	ssyncset.done $0x0  }
0x70: {  	[sflag:s5] =	ssyncadd.s32 $0xFFFFE800  }
0x71: {  	_ =	swait.ge [sflag:s5], $0x1800  }
0x72: {  	[sflag:s5] =	ssyncset.done $0x0  }
0x73: {  	s7 =	simm.s32 @!p0 $0x1;
	[sflag:s5] =	ssyncadd.s32 $0xFFFFE800  }
0x74: {  	_ =	swait.ge @!p0 [sflag:s7], $0x800  }
0x75: {  	[sflag:s7] =	ssyncset.done @!p0 $0x0  }
0x76: {  	[sflag:s7] =	ssyncadd.s32 @!p0 $0xFFFFF800  }
0x77: {  	_ =	swait.ge [sflag:s5], $0x2710  }
0x78: {  	[sflag:s5] =	ssyncset.done $0x0  }
0x79: {  	[sflag:s5] =	ssyncadd.s32 $0xFFFFD8F0  }
0x7a: {  	_ =	swait.ge [sflag:s5], $0x80  }
0x7b: {  	[sflag:s5] =	ssyncset.done $0x0  }
0x7c: {  	[sflag:s5] =	ssyncadd.s32 $0xFFFFFF80  }
0x7d: {  	s21 =	simm.s32 $0x0;
	[bflag:$0x0] =	sbarrier.arrive $0xFFFF  }
0x7e: {  	[tilespmem:s0], [sflag:$0x2] =	stream.indirect.gather [hbm4b:s1+s6], $0x80, s21, s6, $0xb8;
	[tilespmem:$0x1E180] =	vst v63  }
0x7f: {  	_ =	swait.ge [sflag:s9], $0x4000  }
0x80: {  	[sflag:s9] =	ssyncset.done $0x0  }
0x81: {  	[sflag:s9] =	ssyncadd.s32 $0xFFFFC000  }
0x82: {  	[tilespmem:s11], [sflag:$0x3] =	stream.indirect.gather [hbm4b:s1+s6], $0x80, s6, s6, $0xb8;
	[tilespmem:$0x1E180] =	vst v63  }
0x83: {  	_ = 	snop  }
0x84: {  	[tilespmem:s12], [sflag:$0x7] =	stream.linear.gather [hbm4b:s28+s21], $0x80, $0x38;
	[tilespmem:$0x1E180] =	vst v63  }
0x85: {  	_ =	swait.ge [sflag:s13], $0x80  }
0x86: {  	[sflag:s13] =	ssyncset.done $0x0  }
0x87: {  	[sflag:s13] =	ssyncadd.s32 $0xFFFFFF80  }
0x88: {  	[spmem:s3] =	stream.indirect.scatter.add.f32 [tilespmem:s0], [sflag:$0x4], $0x80, s2, s6, $0xb8;
	[tilespmem:$0x1E180] =	vst v63  }
0x89: {  	_ =	swait.ge [sflag:s14], $0x4000  }
0x8a: {  	[sflag:s14] =	ssyncset.done $0x0  }
0x8b: {  	[sflag:s14] =	ssyncadd.s32 $0xFFFFC000  }
0x8c: {  	_ =	swait.ge [sflag:s15], $0x4000  }
0x8d: {  	[sflag:s15] =	ssyncset.done $0x0  }
0x8e: {  	[sflag:s15] =	ssyncadd.s32 $0xFFFFC000  }
0x8f: {  	[tilespmem:s2], [sflag:$0x6] =	stream.linear.gather [hbm4b:s29+s21], $0x80, $0x38;
	[tilespmem:$0x1E180] =	vst v63  }
0x90: {  	s22 =	simm.s32 $0x100  }
0x91: {  	[tilespmem:s0], [sflag:$0x2] =	stream.indirect.gather [hbm4b:s1+s6], $0x80, s22, s6, $0xb8;
	[tilespmem:$0x1E180] =	vst v63  }
0x92: {  	_ =	swait.ge [sflag:s16], $0x80  }
0x93: {  	[sflag:s16] =	ssyncset.done $0x0  }
0x94: {  	[sflag:s16] =	ssyncadd.s32 $0xFFFFFF80  }
0x95: {  	[spmem:s3] =	stream.indirect.scatter.add.f32 [tilespmem:s11], [sflag:$0x5], $0x80, s12, s6, $0xb8;
	[tilespmem:$0x1E180] =	vst v63  }
0x96: {  	_ =	swait.ge [sflag:s9], $0x4000  }
0x97: {  	[sflag:s9] =	ssyncset.done $0x0  }
0x98: {  	[sflag:s9] =	ssyncadd.s32 $0xFFFFC000  }
0x99: {  	_ =	swait.ge [sflag:s17], $0x4000  }
0x9a: {  	[sflag:s17] =	ssyncset.done $0x0  }
0x9b: {  	s25 =	simm.s32 $0x180;
	[sflag:s17] =	ssyncadd.s32 $0xFFFFC000  }
0x9c: {  	[tilespmem:s11], [sflag:$0x3] =	stream.indirect.gather [hbm4b:s1+s6], $0x80, s25, s6, $0xb8;
	[tilespmem:$0x1E180] =	vst v63  }
0x9d: {  	s21 =	sadd.s32 $0x0, s23  }
0x9e: {  	[tilespmem:s12], [sflag:$0x7] =	stream.linear.gather [hbm4b:s21+s4], $0x80, $0x38;
	[tilespmem:$0x1E180] =	vst v63  }
0x9f: {  	_ =	swait.ge [sflag:s13], $0x80  }
0xa0: {  	[sflag:s13] =	ssyncset.done $0x0  }
0xa1: {  	[sflag:s13] =	ssyncadd.s32 $0xFFFFFF80  }
0xa2: {  	[spmem:s3] =	stream.indirect.scatter.add.f32 [tilespmem:s0], [sflag:$0x4], $0x80, s2, s6, $0xb8;
	[tilespmem:$0x1E180] =	vst v63  }
0xa3: {  	_ =	swait.ge [sflag:s14], $0x4000  }
0xa4: {  	[sflag:s14] =	ssyncset.done $0x0  }
0xa5: {  	[sflag:s14] =	ssyncadd.s32 $0xFFFFC000  }
0xa6: {  	_ =	swait.ge [sflag:s15], $0x4000  }
0xa7: {  	[sflag:s15] =	ssyncset.done $0x0  }
0xa8: {  	s22 =	sadd.s32 $0x0, s24;
	[sflag:s15] =	ssyncadd.s32 $0xFFFFC000  }
0xa9: {  	[tilespmem:s2], [sflag:$0x6] =	stream.linear.gather [hbm4b:s22+s4], $0x80, $0x38;
	[tilespmem:$0x1E180] =	vst v63  }
0xaa: {  	s25 =	simm.s32 $0x200  }
0xab: {  	[tilespmem:s0], [sflag:$0x2] =	stream.indirect.gather [hbm4b:s1+s6], $0x80, s25, s6, $0xb8;
	[tilespmem:$0x1E180] =	vst v63  }
0xac: {  	_ =	swait.ge [sflag:s16], $0x80  }
0xad: {  	[sflag:s16] =	ssyncset.done $0x0  }
0xae: {  	s21 =	simm.s32 $0x20;
	s22 =	simm.s32 $0x280;
	[sflag:s16] =	ssyncadd.s32 $0xFFFFFF80  }
.LBB2_4:
0xaf: {  	[spmem:s3] =	stream.indirect.scatter.add.f32 [tilespmem:s11], [sflag:$0x5], $0x80, s12, s6, $0xb8;
	[tilespmem:$0x1E180] =	vst v63  }
0xb0: {  	s7 =	smov.u32 s21  }
0xb1: {  	p1 =	sne.s32 s21, $0x480;
	s21 =	sadd.s32 $0x20, s21;
	_ =	swait.ge [sflag:s9], $0x4000  }
0xb2: {  	[sflag:s9] =	ssyncset.done $0x0  }
0xb3: {  	[sflag:s9] =	ssyncadd.s32 $0xFFFFC000  }
0xb4: {  	_ =	swait.ge [sflag:s17], $0x4000  }
0xb5: {  	[sflag:s17] =	ssyncset.done $0x0  }
0xb6: {  	[sflag:s17] =	ssyncadd.s32 $0xFFFFC000  }
0xb7: {  	[tilespmem:s11], [sflag:$0x3] =	stream.indirect.gather [hbm4b:s1+s6], $0x80, s22, s6, $0xb8;
	[tilespmem:$0x1E180] =	vst v63  }
0xb8: {  	s25 =	sadd.s32 s7, s23  }
0xb9: {  	[tilespmem:s12], [sflag:$0x7] =	stream.linear.gather [hbm4b:s25+s4], $0x80, $0x38;
	[tilespmem:$0x1E180] =	vst v63  }
0xba: {  	_ =	swait.ge [sflag:s13], $0x80  }
0xbb: {  	[sflag:s13] =	ssyncset.done $0x0  }
0xbc: {  	[sflag:s13] =	ssyncadd.s32 $0xFFFFFF80  }
0xbd: {  	[spmem:s3] =	stream.indirect.scatter.add.f32 [tilespmem:s0], [sflag:$0x4], $0x80, s2, s6, $0xb8;
	[tilespmem:$0x1E180] =	vst v63  }
0xbe: {  	_ =	swait.ge [sflag:s14], $0x4000  }
0xbf: {  	[sflag:s14] =	ssyncset.done $0x0  }
0xc0: {  	[sflag:s14] =	ssyncadd.s32 $0xFFFFC000  }
0xc1: {  	_ =	swait.ge [sflag:s15], $0x4000  }
0xc2: {  	[sflag:s15] =	ssyncset.done $0x0  }
0xc3: {  	s7 =	sadd.s32 s7, s24;
	[sflag:s15] =	ssyncadd.s32 $0xFFFFC000  }
0xc4: {  	[tilespmem:s2], [sflag:$0x6] =	stream.linear.gather [hbm4b:s7+s4], $0x80, $0x38;
	[tilespmem:$0x1E180] =	vst v63  }
.Ltmp1:
0xc5: {  	s7 =	sadd.s32 $0x80, s22;
	(pc) =	sbr.rel @p1 .LBB2_4-.Ltmp1, $4  }
0xc6: {  	[tilespmem:s0], [sflag:$0x2] =	stream.indirect.gather [hbm4b:s1+s6], $0x80, s7, s6, $0xb8;
	[tilespmem:$0x1E180] =	vst v63  }
0xc7: {  	_ =	swait.ge [sflag:s16], $0x80  }
0xc8: {  	[sflag:s16] =	ssyncset.done $0x0  }
0xc9: {  	s22 =	sadd.s32 $0x100, s22;
	[sflag:s16] =	ssyncadd.s32 $0xFFFFFF80  }
0xca: {  	[spmem:s3] =	stream.indirect.scatter.add.f32 [tilespmem:s11], [sflag:$0x5], $0x80, s12, s6, $0xb8;
	[tilespmem:$0x1E180] =	vst v63  }
0xcb: {  	_ =	swait.ge [sflag:s9], $0x4000  }
0xcc: {  	[sflag:s9] =	ssyncset.done $0x0  }
0xcd: {  	[sflag:s9] =	ssyncadd.s32 $0xFFFFC000  }
0xce: {  	_ =	swait.ge [sflag:s17], $0x4000  }
0xcf: {  	[sflag:s17] =	ssyncset.done $0x0  }
0xd0: {  	s7 =	simm.s32 $0x2680;
	[sflag:s17] =	ssyncadd.s32 $0xFFFFC000  }
0xd1: {  	[tilespmem:s11], [sflag:$0x3] =	stream.indirect.gather [hbm4b:s1+s6], $0x80, s7, s6, $0xb8;
	[tilespmem:$0x1E180] =	vst v63  }
0xd2: {  	_ = 	snop  }
0xd3: {  	[tilespmem:s12], [sflag:$0x7] =	stream.linear.gather [hbm4b:s30+s4], $0x80, $0x38;
	[tilespmem:$0x1E180] =	vst v63  }
0xd4: {  	_ =	swait.ge [sflag:s13], $0x80  }
0xd5: {  	[sflag:s13] =	ssyncset.done $0x0  }
0xd6: {  	[sflag:s13] =	ssyncadd.s32 $0xFFFFFF80  }
0xd7: {  	[spmem:s3] =	stream.indirect.scatter.add.f32 [tilespmem:s0], [sflag:$0x4], $0x80, s2, s6, $0xb8;
	[tilespmem:$0x1E180] =	vst v63  }
0xd8: {  	_ =	swait.ge [sflag:s14], $0x4000  }
0xd9: {  	[sflag:s14] =	ssyncset.done $0x0  }
0xda: {  	[sflag:s14] =	ssyncadd.s32 $0xFFFFC000  }
0xdb: {  	_ =	swait.ge [sflag:s15], $0x4000  }
0xdc: {  	[sflag:s15] =	ssyncset.done $0x0  }
0xdd: {  	[sflag:s15] =	ssyncadd.s32 $0xFFFFC000  }
0xde: {  	_ =	swait.ge [sflag:s16], $0x80  }
0xdf: {  	[sflag:s16] =	ssyncset.done $0x0  }
0xe0: {  	[sflag:s16] =	ssyncadd.s32 $0xFFFFFF80  }
0xe1: {  	[spmem:s3] =	stream.indirect.scatter.add.f32 [tilespmem:s11], [sflag:$0x5], $0x80, s12, s6, $0xb8;
	[tilespmem:$0x1E180] =	vst v63  }
0xe2: {  	s25 =	simm.s32 $0x2700  }
0xe3: {  	[tilespmem:s0], [sflag:$0x2] =	stream.indirect.gather [hbm4b:s1+s18], $0x80, s25, s18, $0xb8;
	[tilespmem:$0x1E180] =	vst v63  }
0xe4: {  	_ =	swait.ge [sflag:s9], $0x800  }
0xe5: {  	[sflag:s9] =	ssyncset.done $0x0  }
0xe6: {  	s25 =	simm.s32 $0x2880;
	[sflag:s9] =	ssyncadd.s32 $0xFFFFF800  }
0xe7: {  	[spmem:s3] =	stream.indirect.scatter.add.f32 [tilespmem:s0], [sflag:$0x4], $0x80, s25, s18, $0xb8;
	[tilespmem:$0x1E180] =	vst v63  }
0xe8: {  	_ =	swait.ge [sflag:s15], $0x800  }
0xe9: {  	[sflag:s15] =	ssyncset.done $0x0  }
0xea: {  	[sflag:s15] =	ssyncadd.s32 $0xFFFFF800  }
0xeb: {  	_ =	swait.ge [sflag:s17], $0x4000  }
0xec: {  	[sflag:s17] =	ssyncset.done $0x0  }
0xed: {  	s21 =	stileid.u32;
	[sflag:s17] =	ssyncadd.s32 $0xFFFFC000  }
0xee: {  	s7 =	sshll.u32 s21, $0x6;
	[bflag:$0x0] =	sbarrier.arrive $0xFFFF  }
0xef: {  	s21 =	sshrl.u32 s10, $0x3;
	s7 =	sor.u32 $0x1C08, s7;
	s22 =	rddreg [dreg:$0x6]  }
0xf0: {  	[hbm:s22], [sflag:s7] =	dma.local [spmem:s21], $0x2700  }
0xf1: {  	_ =	swait.ge [sflag:s19], $0x2700  }
0xf2: {  	[sflag:s19] =	ssyncset.done $0x0  }
0xf3: {  	s21 =	sshrl.u32 @!p0 s8, $0x3;
	s22 =	rddreg [dreg:$0x7];
	[sflag:s19] =	ssyncadd.s32 $0xFFFFD900  }
0xf4: {  	[hbm:s22], [sflag:s7] =	dma.local @!p0 [spmem:s21], $0x100  }
0xf5: {  	s7 =	simm.s32 @!p0 $0x8  }
0xf6: {  	_ =	swait.ge @!p0 [sflag:s7], $0x100  }
0xf7: {  	s20 =	sadd.s32 $0x1, s20;
	s22 =	rddreg [dreg:$0x8]  }
0xf8: {  	p1 =	sne.s32 s20, s22  }
.Ltmp2:
0xf9: {  	_ = 	snop;
	(pc) =	sbr.rel @p1 .LBB2_1-.Ltmp2, $3  }
0xfa: {  	_ =	sdelay $0x1  }
0xfb: {  	[sflag:s7] =	ssyncset.done @!p0 $0x0  }
0xfc: {  	[sflag:s7] =	ssyncadd.s32 @!p0 $0xFFFFFF00  }
0xfd: {  	_ =	sfence.sel $0x180000  }
0xfe: {  	[bflag:$0x0] =	sbarrier.arrive $0xFFFF  }
0xff: {  	_ =	strace $0x90000047  }
0x100: {  	s0 =	stileid.u32;
	[bflag:$0x2] =	sbarrier.arrive $0xFFFF  }
0x101: {  	p0 =	sne.s32 s0, $0x0;
	s0 =	rddreg [dreg:$0x3]  }
0x102: {  	s0 =	sadd.s32 @!p0 $0x100000, s0  }
0x103: {  	[sflag:s0] =	ssyncadd.tile.s32 @!p0 $0x1;
	_ =	shalt  }
.Lfunc_end2:
_tile_overlayer_lowered:
.L_overlay_start_2:
0x104: {  	(tag) =	ssettag $0x2  }
0x105: {  	s0 =	rddreg [dreg:$0x0];
	s2 =	stileid.u32  }
0x106: {  	s1 =	rddreg [dreg:$0x1];
	p0 =	sne.s32 s2, $0x0  }
0x107: {  	s3 =	rddreg [dreg:$0x2];
	[bflag:$0x3] =	sbarrier.arrive $0xFFFF;
	s2 =	simm.s32 @!p0 $0x1C08  }
0x108: {  	[timem:s3], [sflag:s2] =	dma.local @!p0 [hbm:s0], s1  }
0x109: {  	s0 =	simm.s32 @!p0 $0x8  }
0x10a: {  	_ =	swait.ge @!p0 [sflag:s0], s1  }
0x10b: {  	s1 =	ssub.s32 @!p0 $0x0, s1;
	[sflag:s0] =	ssyncset.done @!p0 $0x0  }
0x10c: {  	[sflag:s0] =	ssyncadd.s32 @!p0 s1  }
0x10d: {  	[bflag:$0x3] =	sbarrier.arrive $0xFFFF  }
0x10e: {  	_ =	shalt  }

// kernel: kernel.9.cloned.1.call-start
scs
__scs_entry_jumppad:
0x0: {  	(pc) =	sbr.rel $0x88, $3  }
0x1: {  	(tag) =	ssettag $0x0;
	lr =	simm.s32 $0x1  }
0x2: {  	[smem:$0x3F97] =	sst lr;
	_ =	strace $0xD0000000  }
0x3: {  	_ = 	snop  }
0x4: {  	_ = 	snop  }
0x5: {  	_ = 	snop  }
0x6: {  	_ = 	snop  }
0x7: {  	_ = 	snop  }
__scs_overlays_trampoline_lowered:
0x8: {  	[smem:$0x3FA6] =	sst s0  }
0x9: {  	[smem:$0x3FA7] =	sst s1  }
0xa: {  	[smem:$0x3FA8] =	sst s2  }
0xb: {  	[smem:$0x3FA9] =	sst s3  }
0xc: {  	[smem:$0x3FAA] =	sst s4  }
0xd: {  	[smem:$0x3FAB] =	sst s5  }
0xe: {  	[smem:$0x3FAC] =	sst s6  }
0xf: {  	[smem:$0x3FAD] =	sst s7  }
0x10: {  	[smem:$0x3FAE] =	sst s8  }
0x11: {  	[smem:$0x3FAF] =	sst s9;
	s0 =	simm.s32 @!p0 $0x0  }
0x12: {  	s1 =	sld [smem:$0x3F95];
	s0 =	simm.s32 @p0 $0x1  }
0x13: {  	[smem:$0x3FB0] =	sst s0;
	s0 =	simm.s32 @!p1 $0x0  }
0x14: {  	s2 =	sld [smem:$0x3F94];
	s0 =	simm.s32 @p1 $0x1  }
0x15: {  	[smem:$0x3FB1] =	sst s0;
	s0 =	simm.s32 @!p2 $0x0  }
0x16: {  	s3 =	sld [smem:$0x3FDB];
	s0 =	simm.s32 @p2 $0x1  }
0x17: {  	s4 =	simm.s32 $0x1BF5;
	[smem:$0x3FB3] =	sst s0  }
0x18: {  	s0 =	sld [smem:$0x3F96];
	_ =	swait.ge [sflag:s4], $0x0  }
0x19: {  	s7 =	sld [smem:$0x3F97]  }
0x1a: {  	s8 =	sadd.s32 $0xFFFFE003, lr  }
0x1b: {  	s9 =	sadd.s32 $0xFFFFFEF7, lr;
	s5 =	simm.s32 $0xFFFFFFFF;
	p2 =	slt.u32 s8, $0xFFFFF086  }
0x1c: {  	p1 =	slt.u32 s9, $0xF7A;
	s5 =	simm.s32 @!p2 $0x0  }
0x1d: {  	s5 =	simm.s32 @p1 $0x1;
	p0 =	seq.s32 s7, s2  }
0x1e: {  	s7 =	smul.u32 @!p0 $0xF7A, s2;
	p2 =	seq.s32 @!p0 s5, $0x0  }
0x1f: {  	s9 =	smul.u32 $0xF7A, s1;
	s8 =	simm.s32 @!p0 $0x1BF5;
	p2 =	por !p2, p0  }
0x20: {  	[sflag:s8] =	ssyncset.s32 @!p0 $0xFFFFF086;
	s6 =	sadd.s32 @!p0 s3, s7;
	s7 =	simm.s32 @!p0 $0x108  }
0x21: {  	s3 =	sadd.s32 s3, s9;
	s6 =	sadd.s32 @!p0 $0x88, s6;
	s7 =	simm.s32 @p2 $0x1082  }
0x22: {  	[simem:s7], [sflag:s8] =	dma.local @!p0 [hbm:s6], $0xF7A  }
0x23: {  	s9 =	sor.u32 $0xD0000000, s2;
	s6 =	simm.s32 $0x108;
	_ =	swait.ge @!p0 [sflag:s8], $0x0  }
0x24: {  	s3 =	sadd.s32 $0x88, s3;
	s6 =	simm.s32 @!p1 $0x1082;
	[sflag:s4] =	ssyncset.s32 $0xFFFFF086  }
0x25: {  	[simem:s6], [sflag:s4] =	dma.local [hbm:s3], $0xF7A  }
0x26: {  	[smem:$0x3F97] =	sst s1;
	(tag) =	ssettag s2;
	_ =	strace s9  }
0x27: {  	s1 =	sld [smem:$0x3FA7]  }
0x28: {  	s2 =	sld [smem:$0x3FA8]  }
0x29: {  	s4 =	sld [smem:$0x3FAA]  }
0x2a: {  	p0 =	seq.s32 s5, $0x0;
	s5 =	sld [smem:$0x3FAB]  }
0x2b: {  	s6 =	sld [smem:$0x3FAC]  }
0x2c: {  	s7 =	sld [smem:$0x3FAD]  }
0x2d: {  	s3 =	simm.s32 $0x108;
	s8 =	sld [smem:$0x3FAE]  }
0x2e: {  	s3 =	simm.s32 @!p0 $0x1082;
	s9 =	sld [smem:$0x3FAF]  }
0x2f: {  	lr =	sadd.s32 s0, s3;
	s0 =	sld [smem:$0x3FA6]  }
0x30: {  	s3 =	sld [smem:$0x3FA9]  }
0x31: {  	[smem:$0x3FB2] =	sst s10  }
0x32: {  	s10 =	sld [smem:$0x3FB0];
	_ =	sdelay $0x3  }
0x33: {  	p0 =	seq.s32 s10, $0x1;
	s10 =	sld [smem:$0x3FB2];
	_ =	sdelay $0x3  }
0x34: {  	[smem:$0x3FB2] =	sst s10  }
0x35: {  	s10 =	sld [smem:$0x3FB1];
	_ =	sdelay $0x3  }
0x36: {  	p1 =	seq.s32 s10, $0x1;
	s10 =	sld [smem:$0x3FB2];
	_ =	sdelay $0x3  }
0x37: {  	[smem:$0x3FB2] =	sst s10  }
0x38: {  	s10 =	sld [smem:$0x3FB3]  }
0x39: {  	_ = 	snop;
	(pc) =	sbr.ind lr, $3  }
0x3a: {  	_ = 	snop  }
0x3b: {  	_ = 	snop  }
0x3c: {  	p2 =	seq.s32 s10, $0x1;
	s10 =	sld [smem:$0x3FB2]  }
0x3d: {  	_ =	shalt  }
0x3e: {  	_ =	shalt  }
0x3f: {  	_ =	shalt  }
0x40: {  	_ =	shalt  }
0x41: {  	_ =	shalt  }
0x42: {  	_ =	shalt  }
0x43: {  	_ =	shalt  }
0x44: {  	_ =	shalt  }
0x45: {  	_ =	shalt  }
0x46: {  	_ =	shalt  }
0x47: {  	_ =	shalt  }
0x48: {  	_ =	shalt  }
0x49: {  	_ =	shalt  }
0x4a: {  	_ =	shalt  }
0x4b: {  	_ =	shalt  }
0x4c: {  	_ =	shalt  }
0x4d: {  	_ =	shalt  }
0x4e: {  	_ =	shalt  }
0x4f: {  	_ =	shalt  }
0x50: {  	_ =	shalt  }
0x51: {  	_ =	shalt  }
0x52: {  	_ =	shalt  }
0x53: {  	_ =	shalt  }
0x54: {  	_ =	shalt  }
0x55: {  	_ =	shalt  }
0x56: {  	_ =	shalt  }
0x57: {  	_ =	shalt  }
0x58: {  	_ =	shalt  }
0x59: {  	_ =	shalt  }
0x5a: {  	_ =	shalt  }
0x5b: {  	_ =	shalt  }
0x5c: {  	_ =	shalt  }
0x5d: {  	_ =	shalt  }
0x5e: {  	_ =	shalt  }
0x5f: {  	_ =	shalt  }
0x60: {  	_ =	shalt  }
0x61: {  	_ =	shalt  }
0x62: {  	_ =	shalt  }
0x63: {  	_ =	shalt  }
0x64: {  	_ =	shalt  }
0x65: {  	_ =	shalt  }
0x66: {  	_ =	shalt  }
0x67: {  	_ =	shalt  }
0x68: {  	_ =	shalt  }
0x69: {  	_ =	shalt  }
0x6a: {  	_ =	shalt  }
0x6b: {  	_ =	shalt  }
0x6c: {  	_ =	shalt  }
0x6d: {  	_ =	shalt  }
0x6e: {  	_ =	shalt  }
0x6f: {  	_ =	shalt  }
0x70: {  	_ =	shalt  }
0x71: {  	_ =	shalt  }
0x72: {  	_ =	shalt  }
0x73: {  	_ =	shalt  }
0x74: {  	_ =	shalt  }
0x75: {  	_ =	shalt  }
0x76: {  	_ =	shalt  }
0x77: {  	_ =	shalt  }
0x78: {  	_ =	shalt  }
0x79: {  	_ =	shalt  }
0x7a: {  	_ =	shalt  }
0x7b: {  	_ =	shalt  }
0x7c: {  	_ =	shalt  }
0x7d: {  	_ =	shalt  }
0x7e: {  	_ =	shalt  }
0x7f: {  	_ =	shalt  }
0x80: {  	_ =	shalt  }
0x81: {  	_ =	shalt  }
0x82: {  	_ =	shalt  }
0x83: {  	_ =	shalt  }
0x84: {  	_ =	shalt  }
0x85: {  	_ =	shalt  }
0x86: {  	_ =	shalt  }
0x87: {  	_ =	shalt  }
.Lfunc_end0:
.L_simem_size_0:
called_computation.1_lowered:
.L_overlay_start_0:
0x88: {  	s2 =	sld [smem:$0x3FD9]  }
0x89: {  	s3 =	sld [smem:$0x3FFE];
	_ =	sdelay $0x1  }
0x8a: {  	s1 =	srdreg.scid  }
0x8b: {  	s0 =	sand.u32 $0x1, s1  }
0x8c: {  	s17 =	sshll.u32 s0, $0xA;
	s2 =	sadd.s32 s3, s2  }
0x8d: {  	s2 =	sadd.s32 s2, s17  }
0x8e: {  	[smem:$0x3FBE] =	sst s2  }
0x8f: {  	_ = 	snop  }
0x90: {  	s2 =	sld [smem:$0x3FD0];
	(tm) =	ssettm $0x1  }
0x91: {  	s18 =	sld [smem:$0x3FFB];
	_ =	sdelay $0x3  }
0x92: {  	_ =	strace s18  }
0x93: {  	s3 =	sld [smem:$0x3FFC];
	_ =	sdelay $0x3  }
0x94: {  	_ =	strace s3  }
0x95: {  	s3 =	sld [smem:$0x3FFD];
	_ =	sdelay $0x3  }
0x96: {  	_ =	strace s3  }
0x97: {  	_ =	strace $0x8FFFFFFF  }
0x98: {  	s19 =	sld [smem:$0x3FDB];
	_ =	sdelay $0x1  }
0x99: {  	s4 =	simm.s32 $_scs_section_size  }
0x9a: {  	s5 =	simm.s32 $_size__tile_overlayer_lowered;
	s6 =	simm.s32 $_tile_overlayer_lowered  }
0x9b: {  	s22 =	simm.s32 $0x1BFF;
	s21 =	sshll.u32 s6, $0x1;
	s3 =	sadd.s32 s4, s19  }
0x9c: {  	s7 =	simm.s32 $0x0;
	s20 =	sshll.u32 s5, $0x1;
	s5 =	sadd.s32 s21, s3  }
0x9d: {  	[timem:s7], [sflag:s22] =	dma.local [hbm:s5], s20  }
0x9e: {  	_ =	swait.ge [sflag:s22], s20  }
0x9f: {  	s4 =	ssub.s32 $0x0, s20;
	[sflag:s22] =	ssyncset.done $0x0  }
0xa0: {  	[sflag:s22] =	ssyncadd.s32 s4;
	_ =	sdelay $0x1  }
0xa1: {  	s23 =	simm.s32 $0x1B8B  }
0xa2: {  	_ =	swait.ge [sflag:s23], $0x1  }
0xa3: {  	[sflag:s23] =	ssyncset.done $0x0  }
0xa4: {  	s25 =	simm.s32 $0x1B8E;
	s24 =	sld [smem:$0x3FFE];
	[sflag:s23] =	ssyncadd.s32 $0xFFFFFFFF  }
0xa5: {  	s26 =	simm.s32 $execute0_lowered;
	[smem:$0x3FD2] =	sst s25  }
0xa6: {  	s5 =	sshll.u32 s26, $0x1;
	_ =	strace $0x80000049;
	[dreg:$0x1] =	wrdreg $0xFFFFFFFF  }
0xa7: {  	s28 =	simm.s32 $_size_execute0_lowered;
	s3 =	sadd.s32 s3, s5;
	[dreg:$0x0] =	wrdreg $0x0  }
0xa8: {  	s5 =	sshll.u32 s28, $0x1;
	[dreg:$0x2] =	wrdreg s3  }
0xa9: {  	[dreg:$0x3] =	wrdreg s5  }
0xaa: {  	[dreg:$0x4] =	wrdreg $0xC0  }
0xab: {  	_ =	task [dreg:s7], $0x5FFFF  }
0xac: {  	[dreg:$0x1] =	wrdreg $0xFFFFFFFF  }
0xad: {  	[dreg:$0x0] =	wrdreg $0x60  }
0xae: {  	[dreg:$0x2] =	wrdreg s2  }
0xaf: {  	[dreg:$0x3] =	wrdreg s24  }
0xb0: {  	[dreg:$0x4] =	wrdreg $0xA9000  }
0xb1: {  	[dreg:$0x5] =	wrdreg $0x9  }
0xb2: {  	_ =	task.clear_ibuf [dreg:s7], $0x6FFFF;
	_ =	strace $0x90000049  }
0xb3: {  	s29 =	simm.s32 $0x9;
	_ =	strace $0x8000004B  }
0xb4: {  	_ =	swait.ge [sflag:s29], $0x1  }
0xb5: {  	[sflag:s29] =	ssyncadd.s32 $0xFFFFFFFF  }
0xb6: {  	_ =	strace $0x9000004B  }
0xb7: {  	_ =	sfence  }
0xb8: {  	s30 =	sld [smem:$0x0];
	_ =	sdelay $0x2  }
0xb9: {  	s31 =	sshll.u32 s1, $0xD;
	s1 =	sshrl.u32 s1, $0x2  }
0xba: {  	s3 =	sand.u32 $0x4000, s31;
	s1 =	sadd.s32 s1, s30  }
0xbb: {  	s0 =	sor.u32 s3, s0;
	s1 =	sshll.u32 s1, $0x11  }
0xbc: {  	s0 =	sor.u32 s1, s0  }
0xbd: {  	s0 =	sadd.s32 $0x8F2B, s0  }
0xbe: {  	[sflag:s0] =	ssyncadd.remote.s32 $0x1  }
0xbf: {  	_ =	sfence.sel $0xFFFF  }
0xc0: {  	[dreg:$0x0] =	wrdreg $0xFFFFFFFF;
	(pc) =	sbr.abs _section_cstart, $3  }
0xc1: {  	[dreg:$0x1] =	wrdreg $0xFFFFFFFF  }
0xc2: {  	_ =	task.clear_ibuf [dreg:s7], $0x2FFFF;
	_ =	strace $0x9FFFFFFF  }
0xc3: {  	(tm) =	ssettm $0x7FFFFFFF  }
tec
execute0_lowered:
.L_overlay_start_1:
0x0: {  	(tag) =	ssettag $0x1  }
0x1: {  	s1 =	rddreg [dreg:$0x0];
	s0 =	srdreg.scid  }
0x2: {  	s12 =	stileid.u32;
	s2 =	rddreg [dreg:$0x1]  }
0x3: {  	s3 =	rddreg [dreg:$0x2];
	s25 =	smul.u32 $0x13800, s12  }
0x4: {  	s0 =	sand.u32 $0x1, s0;
	s4 =	sshll.u32 s12, $0x1;
	s26 =	smul.u32 $0x4E000, s12  }
0x5: {  	s7 =	sadd.s32 $0xC000, s2;
	s16 =	smul.u32 $0x4E00, s12;
	p0 =	sne.s32 s12, $0xF  }
0x6: {  	s12 =	simm.s32 $0x2800;
	s5 =	sor.u32 s0, s4;
	s24 =	smul.u32 $0x138800, s0  }
0x7: {  	s4 =	simm.s32 $0x0;
	s9 =	ssub.s32 $0x2, s0;
	s0 =	smul.u32 $0x2700, s0  }
0x8: {  	s6 =	smul.u32 $0x4E2, s5;
	[smem:$0x7FF] =	sst s4;
	s8 =	sshll.u32 s5, $0x4  }
0x9: {  	s10 =	sshrl.u32 s9, $0x1;
	s5 =	smul.u32 $0x2700, s5;
	_ =	strace $0x8000004A  }
0xa: {  	s8 =	sadd.s32 s8, s2;
	s9 =	ssub.s32 s9, s10;
	s10 =	sshrl.u32 s24, $0x3  }
0xb: {  	s0 =	sadd.s32 s0, s16;
	s16 =	simm.s32 $0x7;
	s6 =	sadd.s32 s6, s2  }
0xc: {  	s2 =	sadd.s32 $0x15C00, s2;
	s5 =	sshrl.u32 s5, $0x3;
	s8 =	sadd.s32 $0xBE00, s8  }
0xd: {  	s14 =	smax.u32 s9, $0x1;
	s9 =	simm.s32 $0x2;
	s6 =	sadd.s32 $0x2000, s6  }
0xe: {  	[dreg:$0x5] =	wrdreg s8;
	s13 =	sadd.s32 s7, s5;
	s8 =	sadd.s32 $0x138000, s3  }
0xf: {  	s5 =	sshrl.u32 s26, $0x2;
	s11 =	sadd.s32 s2, s10;
	[dreg:$0x8] =	wrdreg s14  }
0x10: {  	[dreg:$0x4] =	wrdreg s6;
	s10 =	sadd.s32 s5, s3;
	s11 =	sadd.s32 $0x27000, s11  }
0x11: {  	s14 =	simm.s32 $0x3;
	[dreg:$0x7] =	wrdreg s11;
	s15 =	sadd.s32 $0x1800, s10  }
0x12: {  	s6 =	sadd.s32 s25, s24;
	s5 =	sadd.s32 $0x3000, s10;
	[dreg:$0x9] =	wrdreg s15  }
0x13: {  	s24 =	sadd.s32 $0x180, s0;
	s17 =	sadd.s32 $0x4800, s10;
	[dreg:$0xa] =	wrdreg s5  }
0x14: {  	s0 =	sadd.s32 $0x200, s0;
	s18 =	sadd.s32 $0x6000, s10;
	[dreg:$0xb] =	wrdreg s17  }
0x15: {  	s28 =	sadd.s32 $0x10, s13;
	s19 =	sadd.s32 $0x7800, s10;
	[dreg:$0xc] =	wrdreg s18  }
0x16: {  	s29 =	sadd.s32 $0x20, s13;
	s20 =	sadd.s32 $0x9000, s10;
	[dreg:$0xd] =	wrdreg s19  }
0x17: {  	s31 =	smov.u32 s13;
	s21 =	sadd.s32 $0xA800, s10;
	[dreg:$0xe] =	wrdreg s20  }
0x18: {  	s30 =	sadd.s32 $0x4D0, s13;
	s22 =	sadd.s32 $0xC000, s10;
	[dreg:$0xf] =	wrdreg s21  }
0x19: {  	s13 =	simm.s32 $0x6;
	s23 =	sadd.s32 $0xD800, s10;
	[dreg:$0x10] =	wrdreg s22  }
0x1a: {  	s6 =	sshrl.u32 s6, $0x3;
	s25 =	sadd.s32 $0xF000, s10;
	[dreg:$0x11] =	wrdreg s23  }
0x1b: {  	s0 =	sshrl.u32 s0, $0x3;
	s26 =	sadd.s32 $0x10800, s10;
	[dreg:$0x12] =	wrdreg s25  }
0x1c: {  	s11 =	simm.s32 $0x6900;
	s2 =	sadd.s32 s2, s6;
	[dreg:$0x13] =	wrdreg s26  }
0x1d: {  	s26 =	sadd.s32 $0x12000, s10;
	s25 =	simm.s32 $0x2880;
	s5 =	simm.s32 $0x1  }
0x1e: {  	s6 =	simm.s32 $0x80;
	s15 =	simm.s32 $0x4;
	s17 =	simm.s32 $0x5  }
0x1f: {  	s18 =	simm.s32 $0x10;
	s19 =	simm.s32 $0x8;
	s20 =	simm.s32 $0x0  }
0x20: {  	[dreg:$0x6] =	wrdreg s2;
	s2 =	sshrl.u32 s24, $0x3;
	s24 =	sadd.s32 s0, s7  }
0x21: {  	v0 =	vimm.f32 $0.0e+00;
	s0 =	simm.s32 $0x2900;
	s23 =	sadd.s32 s2, s7;
	s2 =	simm.s32 $0x2780  }
.LBB2_1:
0x22: {  	s7 =	rddreg [dreg:$0x4]  }
0x23: {  	[tilespmem:s4], [sflag:$0x1] =	stream.linear.gather [hbm4b:s7+s4], $0x2710, $0x38;
	[tilespmem:$0x1E180] =	vst v63  }
0x24: {  	s22 =	rddreg [dreg:$0x5]  }
0x25: {  	[tilespmem:s25], [sflag:$0x1] =	stream.linear.gather [hbm4b:s22+s4], $0x80, $0x38;
	[tilespmem:$0x1E180] =	vst v63  }
0x26: {  	s25 =	sand.u32 $0x7E00, s4  }
0x27: {  	s22 =	sand.u32 $0x70, s4;
	s7 =	sshrl.u32 s25, $0x2  }
0x28: {  	[tilespmem:s2], [sflag:$0x6] =	stream.linear.gather [hbm4b:s31+s4], $0x80, $0x38;
	[tilespmem:$0x1E180] =	vst v63  }
0x29: {  	s21 =	simm.s32 $0x40;
	s7 =	sor.u32 s22, s7;
	s22 =	simm.s32 $0x0  }
.LBB2_2:
0x2a: {  	p1 =	sne.s32 s21, $0x5FC0  }
0x2b: {  	[tilespmem:s7+$0x2900] =	vst v0;
	s22 =	sadd.s32 $0x10, s22;
	s7 =	smov.u32 s21;
	s21 =	sadd.s32 $0x40, s21  }
.Ltmp0:
0x2c: {  	(pc) =	sbr.rel @p1 .LBB2_2-.Ltmp0, $4  }
0x2d: {  	_ = 	snop  }
0x2e: {  	s7 =	sand.u32 $0x7E00, s7  }
0x2f: {  	s25 =	sand.u32 $0x70, s22;
	s7 =	sshrl.u32 s7, $0x2  }
0x30: {  	s7 =	sor.u32 s25, s7  }
0x31: {  	[tilespmem:s7+$0x2900] =	vst v0  }
0x32: {  	[spmem:s10] =	stream.linear.scatter [tilespmem:s0], [sflag:$0x1], $0x1800, $0x38;
	[tilespmem:$0x1E180] =	vst v63  }
0x33: {  	s22 =	rddreg [dreg:$0x9]  }
0x34: {  	[spmem:s22] =	stream.linear.scatter [tilespmem:s0], [sflag:$0x1], $0x1800, $0x38;
	[tilespmem:$0x1E180] =	vst v63  }
0x35: {  	s25 =	rddreg [dreg:$0xa]  }
0x36: {  	[spmem:s25] =	stream.linear.scatter [tilespmem:s0], [sflag:$0x1], $0x1800, $0x38;
	[tilespmem:$0x1E180] =	vst v63  }
0x37: {  	s21 =	rddreg [dreg:$0xb]  }
0x38: {  	[spmem:s21] =	stream.linear.scatter [tilespmem:s0], [sflag:$0x1], $0x1800, $0x38;
	[tilespmem:$0x1E180] =	vst v63  }
0x39: {  	s22 =	rddreg [dreg:$0xc]  }
0x3a: {  	[spmem:s22] =	stream.linear.scatter [tilespmem:s0], [sflag:$0x1], $0x1800, $0x38;
	[tilespmem:$0x1E180] =	vst v63  }
0x3b: {  	s25 =	rddreg [dreg:$0xd]  }
0x3c: {  	[spmem:s25] =	stream.linear.scatter [tilespmem:s0], [sflag:$0x1], $0x1800, $0x38;
	[tilespmem:$0x1E180] =	vst v63  }
0x3d: {  	s21 =	rddreg [dreg:$0xe]  }
0x3e: {  	[spmem:s21] =	stream.linear.scatter [tilespmem:s0], [sflag:$0x1], $0x1800, $0x38;
	[tilespmem:$0x1E180] =	vst v63  }
0x3f: {  	s22 =	rddreg [dreg:$0xf]  }
0x40: {  	[spmem:s22] =	stream.linear.scatter [tilespmem:s0], [sflag:$0x1], $0x1800, $0x38;
	[tilespmem:$0x1E180] =	vst v63  }
0x41: {  	s25 =	rddreg [dreg:$0x10]  }
0x42: {  	[spmem:s25] =	stream.linear.scatter [tilespmem:s0], [sflag:$0x1], $0x1800, $0x38;
	[tilespmem:$0x1E180] =	vst v63  }
0x43: {  	s21 =	rddreg [dreg:$0x11]  }
0x44: {  	[spmem:s21] =	stream.linear.scatter [tilespmem:s0], [sflag:$0x1], $0x1800, $0x38;
	[tilespmem:$0x1E180] =	vst v63  }
0x45: {  	s22 =	rddreg [dreg:$0x12]  }
0x46: {  	[spmem:s22] =	stream.linear.scatter [tilespmem:s0], [sflag:$0x1], $0x1800, $0x38;
	[tilespmem:$0x1E180] =	vst v63  }
0x47: {  	s25 =	rddreg [dreg:$0x13]  }
0x48: {  	[spmem:s25] =	stream.linear.scatter [tilespmem:s0], [sflag:$0x1], $0x1800, $0x38;
	[tilespmem:$0x1E180] =	vst v63  }
0x49: {  	_ = 	snop  }
0x4a: {  	[spmem:s26] =	stream.linear.scatter [tilespmem:s0], [sflag:$0x1], $0x1800, $0x38;
	[tilespmem:$0x1E180] =	vst v63  }
0x4b: {  	s7 =	simm.s32 @!p0 $0x2900  }
0x4c: {  	[spmem:s8] =	stream.linear.scatter @!p0 [tilespmem:s7], [sflag:$0x1], $0x800, $0x38;
	[tilespmem:$0x1E180] =	vst v63  }
0x4d: {  	_ =	swait.ge [sflag:s5], $0x1800  }
0x4e: {  	[sflag:s5] =	ssyncset.done $0x0  }
0x4f: {  	[sflag:s5] =	ssyncadd.s32 $0xFFFFE800  }
0x50: {  	_ =	swait.ge [sflag:s5], $0x1800  }
0x51: {  	[sflag:s5] =	ssyncset.done $0x0  }
0x52: {  	[sflag:s5] =	ssyncadd.s32 $0xFFFFE800  }
0x53: {  	_ =	swait.ge [sflag:s5], $0x1800  }
0x54: {  	[sflag:s5] =	ssyncset.done $0x0  }
0x55: {  	[sflag:s5] =	ssyncadd.s32 $0xFFFFE800  }
0x56: {  	_ =	swait.ge [sflag:s5], $0x1800  }
0x57: {  	[sflag:s5] =	ssyncset.done $0x0  }
0x58: {  	[sflag:s5] =	ssyncadd.s32 $0xFFFFE800  }
0x59: {  	_ =	swait.ge [sflag:s5], $0x1800  }
0x5a: {  	[sflag:s5] =	ssyncset.done $0x0  }
0x5b: {  	[sflag:s5] =	ssyncadd.s32 $0xFFFFE800  }
0x5c: {  	_ =	swait.ge [sflag:s5], $0x1800  }
0x5d: {  	[sflag:s5] =	ssyncset.done $0x0  }
0x5e: {  	[sflag:s5] =	ssyncadd.s32 $0xFFFFE800  }
0x5f: {  	_ =	swait.ge [sflag:s5], $0x1800  }
0x60: {  	[sflag:s5] =	ssyncset.done $0x0  }
0x61: {  	[sflag:s5] =	ssyncadd.s32 $0xFFFFE800  }
0x62: {  	_ =	swait.ge [sflag:s5], $0x1800  }
0x63: {  	[sflag:s5] =	ssyncset.done $0x0  }
0x64: {  	[sflag:s5] =	ssyncadd.s32 $0xFFFFE800  }
0x65: {  	_ =	swait.ge [sflag:s5], $0x1800  }
0x66: {  	[sflag:s5] =	ssyncset.done $0x0  }
0x67: {  	[sflag:s5] =	ssyncadd.s32 $0xFFFFE800  }
0x68: {  	_ =	swait.ge [sflag:s5], $0x1800  }
0x69: {  	[sflag:s5] =	ssyncset.done $0x0  }
0x6a: {  	[sflag:s5] =	ssyncadd.s32 $0xFFFFE800  }
0x6b: {  	_ =	swait.ge [sflag:s5], $0x1800  }
0x6c: {  	[sflag:s5] =	ssyncset.done $0x0  }
0x6d: {  	[sflag:s5] =	ssyncadd.s32 $0xFFFFE800  }
0x6e: {  	_ =	swait.ge [sflag:s5], $0x1800  }
0x6f: {  	[sflag:s5] =	ssyncset.done $0x0  }
0x70: {  	[sflag:s5] =	ssyncadd.s32 $0xFFFFE800  }
0x71: {  	_ =	swait.ge [sflag:s5], $0x1800  }
0x72: {  	[sflag:s5] =	ssyncset.done $0x0  }
0x73: {  	s7 =	simm.s32 @!p0 $0x1;
	[sflag:s5] =	ssyncadd.s32 $0xFFFFE800  }
0x74: {  	_ =	swait.ge @!p0 [sflag:s7], $0x800  }
0x75: {  	[sflag:s7] =	ssyncset.done @!p0 $0x0  }
0x76: {  	[sflag:s7] =	ssyncadd.s32 @!p0 $0xFFFFF800  }
0x77: {  	_ =	swait.ge [sflag:s5], $0x2710  }
0x78: {  	[sflag:s5] =	ssyncset.done $0x0  }
0x79: {  	[sflag:s5] =	ssyncadd.s32 $0xFFFFD8F0  }
0x7a: {  	_ =	swait.ge [sflag:s5], $0x80  }
0x7b: {  	[sflag:s5] =	ssyncset.done $0x0  }
0x7c: {  	[sflag:s5] =	ssyncadd.s32 $0xFFFFFF80  }
0x7d: {  	s21 =	simm.s32 $0x0;
	[bflag:$0x0] =	sbarrier.arrive $0xFFFF  }
0x7e: {  	[tilespmem:s0], [sflag:$0x2] =	stream.indirect.gather [hbm4b:s1+s6], $0x80, s21, s6, $0xb8;
	[tilespmem:$0x1E180] =	vst v63  }
0x7f: {  	_ =	swait.ge [sflag:s9], $0x4000  }
0x80: {  	[sflag:s9] =	ssyncset.done $0x0  }
0x81: {  	[sflag:s9] =	ssyncadd.s32 $0xFFFFC000  }
0x82: {  	[tilespmem:s11], [sflag:$0x3] =	stream.indirect.gather [hbm4b:s1+s6], $0x80, s6, s6, $0xb8;
	[tilespmem:$0x1E180] =	vst v63  }
0x83: {  	_ = 	snop  }
0x84: {  	[tilespmem:s12], [sflag:$0x7] =	stream.linear.gather [hbm4b:s28+s21], $0x80, $0x38;
	[tilespmem:$0x1E180] =	vst v63  }
0x85: {  	_ =	swait.ge [sflag:s13], $0x80  }
0x86: {  	[sflag:s13] =	ssyncset.done $0x0  }
0x87: {  	[sflag:s13] =	ssyncadd.s32 $0xFFFFFF80  }
0x88: {  	[spmem:s3] =	stream.indirect.scatter.add.f32 [tilespmem:s0], [sflag:$0x4], $0x80, s2, s6, $0xb8;
	[tilespmem:$0x1E180] =	vst v63  }
0x89: {  	_ =	swait.ge [sflag:s14], $0x4000  }
0x8a: {  	[sflag:s14] =	ssyncset.done $0x0  }
0x8b: {  	[sflag:s14] =	ssyncadd.s32 $0xFFFFC000  }
0x8c: {  	_ =	swait.ge [sflag:s15], $0x4000  }
0x8d: {  	[sflag:s15] =	ssyncset.done $0x0  }
0x8e: {  	[sflag:s15] =	ssyncadd.s32 $0xFFFFC000  }
0x8f: {  	[tilespmem:s2], [sflag:$0x6] =	stream.linear.gather [hbm4b:s29+s21], $0x80, $0x38;
	[tilespmem:$0x1E180] =	vst v63  }
0x90: {  	s22 =	simm.s32 $0x100  }
0x91: {  	[tilespmem:s0], [sflag:$0x2] =	stream.indirect.gather [hbm4b:s1+s6], $0x80, s22, s6, $0xb8;
	[tilespmem:$0x1E180] =	vst v63  }
0x92: {  	_ =	swait.ge [sflag:s16], $0x80  }
0x93: {  	[sflag:s16] =	ssyncset.done $0x0  }
0x94: {  	[sflag:s16] =	ssyncadd.s32 $0xFFFFFF80  }
0x95: {  	[spmem:s3] =	stream.indirect.scatter.add.f32 [tilespmem:s11], [sflag:$0x5], $0x80, s12, s6, $0xb8;
	[tilespmem:$0x1E180] =	vst v63  }
0x96: {  	_ =	swait.ge [sflag:s9], $0x4000  }
0x97: {  	[sflag:s9] =	ssyncset.done $0x0  }
0x98: {  	[sflag:s9] =	ssyncadd.s32 $0xFFFFC000  }
0x99: {  	_ =	swait.ge [sflag:s17], $0x4000  }
0x9a: {  	[sflag:s17] =	ssyncset.done $0x0  }
0x9b: {  	s25 =	simm.s32 $0x180;
	[sflag:s17] =	ssyncadd.s32 $0xFFFFC000  }
0x9c: {  	[tilespmem:s11], [sflag:$0x3] =	stream.indirect.gather [hbm4b:s1+s6], $0x80, s25, s6, $0xb8;
	[tilespmem:$0x1E180] =	vst v63  }
0x9d: {  	s21 =	sadd.s32 $0x0, s23  }
0x9e: {  	[tilespmem:s12], [sflag:$0x7] =	stream.linear.gather [hbm4b:s21+s4], $0x80, $0x38;
	[tilespmem:$0x1E180] =	vst v63  }
0x9f: {  	_ =	swait.ge [sflag:s13], $0x80  }
0xa0: {  	[sflag:s13] =	ssyncset.done $0x0  }
0xa1: {  	[sflag:s13] =	ssyncadd.s32 $0xFFFFFF80  }
0xa2: {  	[spmem:s3] =	stream.indirect.scatter.add.f32 [tilespmem:s0], [sflag:$0x4], $0x80, s2, s6, $0xb8;
	[tilespmem:$0x1E180] =	vst v63  }
0xa3: {  	_ =	swait.ge [sflag:s14], $0x4000  }
0xa4: {  	[sflag:s14] =	ssyncset.done $0x0  }
0xa5: {  	[sflag:s14] =	ssyncadd.s32 $0xFFFFC000  }
0xa6: {  	_ =	swait.ge [sflag:s15], $0x4000  }
0xa7: {  	[sflag:s15] =	ssyncset.done $0x0  }
0xa8: {  	s22 =	sadd.s32 $0x0, s24;
	[sflag:s15] =	ssyncadd.s32 $0xFFFFC000  }
0xa9: {  	[tilespmem:s2], [sflag:$0x6] =	stream.linear.gather [hbm4b:s22+s4], $0x80, $0x38;
	[tilespmem:$0x1E180] =	vst v63  }
0xaa: {  	s25 =	simm.s32 $0x200  }
0xab: {  	[tilespmem:s0], [sflag:$0x2] =	stream.indirect.gather [hbm4b:s1+s6], $0x80, s25, s6, $0xb8;
	[tilespmem:$0x1E180] =	vst v63  }
0xac: {  	_ =	swait.ge [sflag:s16], $0x80  }
0xad: {  	[sflag:s16] =	ssyncset.done $0x0  }
0xae: {  	s21 =	simm.s32 $0x20;
	s22 =	simm.s32 $0x280;
	[sflag:s16] =	ssyncadd.s32 $0xFFFFFF80  }
.LBB2_4:
0xaf: {  	[spmem:s3] =	stream.indirect.scatter.add.f32 [tilespmem:s11], [sflag:$0x5], $0x80, s12, s6, $0xb8;
	[tilespmem:$0x1E180] =	vst v63  }
0xb0: {  	s7 =	smov.u32 s21  }
0xb1: {  	p1 =	sne.s32 s21, $0x480;
	s21 =	sadd.s32 $0x20, s21;
	_ =	swait.ge [sflag:s9], $0x4000  }
0xb2: {  	[sflag:s9] =	ssyncset.done $0x0  }
0xb3: {  	[sflag:s9] =	ssyncadd.s32 $0xFFFFC000  }
0xb4: {  	_ =	swait.ge [sflag:s17], $0x4000  }
0xb5: {  	[sflag:s17] =	ssyncset.done $0x0  }
0xb6: {  	[sflag:s17] =	ssyncadd.s32 $0xFFFFC000  }
0xb7: {  	[tilespmem:s11], [sflag:$0x3] =	stream.indirect.gather [hbm4b:s1+s6], $0x80, s22, s6, $0xb8;
	[tilespmem:$0x1E180] =	vst v63  }
0xb8: {  	s25 =	sadd.s32 s7, s23  }
0xb9: {  	[tilespmem:s12], [sflag:$0x7] =	stream.linear.gather [hbm4b:s25+s4], $0x80, $0x38;
	[tilespmem:$0x1E180] =	vst v63  }
0xba: {  	_ =	swait.ge [sflag:s13], $0x80  }
0xbb: {  	[sflag:s13] =	ssyncset.done $0x0  }
0xbc: {  	[sflag:s13] =	ssyncadd.s32 $0xFFFFFF80  }
0xbd: {  	[spmem:s3] =	stream.indirect.scatter.add.f32 [tilespmem:s0], [sflag:$0x4], $0x80, s2, s6, $0xb8;
	[tilespmem:$0x1E180] =	vst v63  }
0xbe: {  	_ =	swait.ge [sflag:s14], $0x4000  }
0xbf: {  	[sflag:s14] =	ssyncset.done $0x0  }
0xc0: {  	[sflag:s14] =	ssyncadd.s32 $0xFFFFC000  }
0xc1: {  	_ =	swait.ge [sflag:s15], $0x4000  }
0xc2: {  	[sflag:s15] =	ssyncset.done $0x0  }
0xc3: {  	s7 =	sadd.s32 s7, s24;
	[sflag:s15] =	ssyncadd.s32 $0xFFFFC000  }
0xc4: {  	[tilespmem:s2], [sflag:$0x6] =	stream.linear.gather [hbm4b:s7+s4], $0x80, $0x38;
	[tilespmem:$0x1E180] =	vst v63  }
.Ltmp1:
0xc5: {  	s7 =	sadd.s32 $0x80, s22;
	(pc) =	sbr.rel @p1 .LBB2_4-.Ltmp1, $4  }
0xc6: {  	[tilespmem:s0], [sflag:$0x2] =	stream.indirect.gather [hbm4b:s1+s6], $0x80, s7, s6, $0xb8;
	[tilespmem:$0x1E180] =	vst v63  }
0xc7: {  	_ =	swait.ge [sflag:s16], $0x80  }
0xc8: {  	[sflag:s16] =	ssyncset.done $0x0  }
0xc9: {  	s22 =	sadd.s32 $0x100, s22;
	[sflag:s16] =	ssyncadd.s32 $0xFFFFFF80  }
0xca: {  	[spmem:s3] =	stream.indirect.scatter.add.f32 [tilespmem:s11], [sflag:$0x5], $0x80, s12, s6, $0xb8;
	[tilespmem:$0x1E180] =	vst v63  }
0xcb: {  	_ =	swait.ge [sflag:s9], $0x4000  }
0xcc: {  	[sflag:s9] =	ssyncset.done $0x0  }
0xcd: {  	[sflag:s9] =	ssyncadd.s32 $0xFFFFC000  }
0xce: {  	_ =	swait.ge [sflag:s17], $0x4000  }
0xcf: {  	[sflag:s17] =	ssyncset.done $0x0  }
0xd0: {  	s7 =	simm.s32 $0x2680;
	[sflag:s17] =	ssyncadd.s32 $0xFFFFC000  }
0xd1: {  	[tilespmem:s11], [sflag:$0x3] =	stream.indirect.gather [hbm4b:s1+s6], $0x80, s7, s6, $0xb8;
	[tilespmem:$0x1E180] =	vst v63  }
0xd2: {  	_ = 	snop  }
0xd3: {  	[tilespmem:s12], [sflag:$0x7] =	stream.linear.gather [hbm4b:s30+s4], $0x80, $0x38;
	[tilespmem:$0x1E180] =	vst v63  }
0xd4: {  	_ =	swait.ge [sflag:s13], $0x80  }
0xd5: {  	[sflag:s13] =	ssyncset.done $0x0  }
0xd6: {  	[sflag:s13] =	ssyncadd.s32 $0xFFFFFF80  }
0xd7: {  	[spmem:s3] =	stream.indirect.scatter.add.f32 [tilespmem:s0], [sflag:$0x4], $0x80, s2, s6, $0xb8;
	[tilespmem:$0x1E180] =	vst v63  }
0xd8: {  	_ =	swait.ge [sflag:s14], $0x4000  }
0xd9: {  	[sflag:s14] =	ssyncset.done $0x0  }
0xda: {  	[sflag:s14] =	ssyncadd.s32 $0xFFFFC000  }
0xdb: {  	_ =	swait.ge [sflag:s15], $0x4000  }
0xdc: {  	[sflag:s15] =	ssyncset.done $0x0  }
0xdd: {  	[sflag:s15] =	ssyncadd.s32 $0xFFFFC000  }
0xde: {  	_ =	swait.ge [sflag:s16], $0x80  }
0xdf: {  	[sflag:s16] =	ssyncset.done $0x0  }
0xe0: {  	[sflag:s16] =	ssyncadd.s32 $0xFFFFFF80  }
0xe1: {  	[spmem:s3] =	stream.indirect.scatter.add.f32 [tilespmem:s11], [sflag:$0x5], $0x80, s12, s6, $0xb8;
	[tilespmem:$0x1E180] =	vst v63  }
0xe2: {  	s25 =	simm.s32 $0x2700  }
0xe3: {  	[tilespmem:s0], [sflag:$0x2] =	stream.indirect.gather [hbm4b:s1+s18], $0x80, s25, s18, $0xb8;
	[tilespmem:$0x1E180] =	vst v63  }
0xe4: {  	_ =	swait.ge [sflag:s9], $0x800  }
0xe5: {  	[sflag:s9] =	ssyncset.done $0x0  }
0xe6: {  	s25 =	simm.s32 $0x2880;
	[sflag:s9] =	ssyncadd.s32 $0xFFFFF800  }
0xe7: {  	[spmem:s3] =	stream.indirect.scatter.add.f32 [tilespmem:s0], [sflag:$0x4], $0x80, s25, s18, $0xb8;
	[tilespmem:$0x1E180] =	vst v63  }
0xe8: {  	_ =	swait.ge [sflag:s15], $0x800  }
0xe9: {  	[sflag:s15] =	ssyncset.done $0x0  }
0xea: {  	[sflag:s15] =	ssyncadd.s32 $0xFFFFF800  }
0xeb: {  	_ =	swait.ge [sflag:s17], $0x4000  }
0xec: {  	[sflag:s17] =	ssyncset.done $0x0  }
0xed: {  	s21 =	stileid.u32;
	[sflag:s17] =	ssyncadd.s32 $0xFFFFC000  }
0xee: {  	s7 =	sshll.u32 s21, $0x6;
	[bflag:$0x0] =	sbarrier.arrive $0xFFFF  }
0xef: {  	s21 =	sshrl.u32 s10, $0x3;
	s7 =	sor.u32 $0x1C08, s7;
	s22 =	rddreg [dreg:$0x6]  }
0xf0: {  	[hbm:s22], [sflag:s7] =	dma.local [spmem:s21], $0x2700  }
0xf1: {  	_ =	swait.ge [sflag:s19], $0x2700  }
0xf2: {  	[sflag:s19] =	ssyncset.done $0x0  }
0xf3: {  	s21 =	sshrl.u32 @!p0 s8, $0x3;
	s22 =	rddreg [dreg:$0x7];
	[sflag:s19] =	ssyncadd.s32 $0xFFFFD900  }
0xf4: {  	[hbm:s22], [sflag:s7] =	dma.local @!p0 [spmem:s21], $0x100  }
0xf5: {  	s7 =	simm.s32 @!p0 $0x8  }
0xf6: {  	_ =	swait.ge @!p0 [sflag:s7], $0x100  }
0xf7: {  	s20 =	sadd.s32 $0x1, s20;
	s22 =	rddreg [dreg:$0x8]  }
0xf8: {  	p1 =	sne.s32 s20, s22  }
.Ltmp2:
0xf9: {  	_ = 	snop;
	(pc) =	sbr.rel @p1 .LBB2_1-.Ltmp2, $3  }
0xfa: {  	_ =	sdelay $0x1  }
0xfb: {  	[sflag:s7] =	ssyncset.done @!p0 $0x0  }
0xfc: {  	[sflag:s7] =	ssyncadd.s32 @!p0 $0xFFFFFF00  }
0xfd: {  	_ =	sfence.sel $0x180000  }
0xfe: {  	[bflag:$0x0] =	sbarrier.arrive $0xFFFF  }
0xff: {  	_ =	strace $0x9000004A  }
0x100: {  	s0 =	stileid.u32;
	[bflag:$0x2] =	sbarrier.arrive $0xFFFF  }
0x101: {  	p0 =	sne.s32 s0, $0x0;
	s0 =	rddreg [dreg:$0x3]  }
0x102: {  	s0 =	sadd.s32 @!p0 $0x100000, s0  }
0x103: {  	[sflag:s0] =	ssyncadd.tile.s32 @!p0 $0x1;
	_ =	shalt  }
.Lfunc_end2:
_tile_overlayer_lowered:
.L_overlay_start_2:
0x104: {  	(tag) =	ssettag $0x2  }
0x105: {  	s0 =	rddreg [dreg:$0x0];
	s2 =	stileid.u32  }
0x106: {  	s1 =	rddreg [dreg:$0x1];
	p0 =	sne.s32 s2, $0x0  }
0x107: {  	s3 =	rddreg [dreg:$0x2];
	[bflag:$0x3] =	sbarrier.arrive $0xFFFF;
	s2 =	simm.s32 @!p0 $0x1C08  }
0x108: {  	[timem:s3], [sflag:s2] =	dma.local @!p0 [hbm:s0], s1  }
0x109: {  	s0 =	simm.s32 @!p0 $0x8  }
0x10a: {  	_ =	swait.ge @!p0 [sflag:s0], s1  }
0x10b: {  	s1 =	ssub.s32 @!p0 $0x0, s1;
	[sflag:s0] =	ssyncset.done @!p0 $0x0  }
0x10c: {  	[sflag:s0] =	ssyncadd.s32 @!p0 s1  }
0x10d: {  	[bflag:$0x3] =	sbarrier.arrive $0xFFFF  }
0x10e: {  	_ =	shalt  }

</sc_bundles>
